<compile_context>
chip_gen: v7x
topology: tpu7x:2x2x1
jax: 0.10.2.dev20260603
libtpu: 0.0.44.dev20260713+nightly
codegen_flags: <defaults>
</compile_context>

<pallas_src>
import functools

import jax
import jax.numpy as jnp
from jax import lax
from jax.experimental import pallas as pl
from jax.experimental.pallas import tpu as pltpu
from jax.experimental.pallas import tpu_sc as plsc

EMBED = 128
BLOCK = 128
NC, NS = 2, 16
NW = NC * NS
NBUF = 7
LEAD = 4
LAG = 3


@jax.jit
def _sc_gather(idx_t, table):
    seq, batch = idx_t.shape
    n_outer = seq // NBUF
    mesh = plsc.VectorSubcoreMesh(core_axis_name="c", subcore_axis_name="s")

    @functools.partial(
        pl.kernel,
        mesh=mesh,
        out_type=jax.ShapeDtypeStruct((seq, batch, EMBED), jnp.float32),
        scratch_types=[
            pltpu.VMEM((seq, BLOCK), jnp.int32),
            pltpu.VMEM((NBUF, BLOCK, EMBED), jnp.float32),
        ]
        + [pltpu.SemaphoreType.DMA] * (2 * NBUF),
    )
    def k(idx_hbm, table_hbm, out_hbm, idx_v, rows_v, *sems):
        gsem, ssem = sems[:NBUF], sems[NBUF:]
        wid = lax.axis_index("s") * NC + lax.axis_index("c")
        col0 = wid * BLOCK
        pltpu.sync_copy(idx_hbm.at[:, pl.ds(col0, BLOCK)], idx_v)

        def gather(slot, s):
            return pltpu.make_async_copy(
                table_hbm.at[idx_v.at[s]], rows_v.at[slot], gsem[slot]
            )

        def store(slot, s):
            return pltpu.make_async_copy(
                rows_v.at[slot],
                out_hbm.at[s].at[pl.ds(col0, BLOCK)],
                ssem[slot],
            )

        for slot in range(LEAD):
            gather(slot, slot).start()

        def outer(t, _):
            for slot in range(NBUF):
                j = t * NBUF + slot
                gather(slot, j).wait()
                store(slot, j).start()

                if slot >= LAG:
                    store(slot - LAG, j - LAG).wait()
                else:

                    @pl.when(t > 0)
                    def _():
                        store((slot - LAG) % NBUF, j - LAG).wait()

                if slot + LEAD < NBUF:
                    gather(slot + LEAD, j + LEAD).start()
                elif slot + LEAD - NBUF <= (seq - 1) % NBUF:
                    gather((slot + LEAD) % NBUF, j + LEAD).start()
                else:

                    @pl.when(t < n_outer - 1)
                    def _():
                        gather((slot + LEAD) % NBUF, j + LEAD).start()

            return 0

        lax.fori_loop(0, n_outer, outer, 0)

        for j in range(n_outer * NBUF, seq):
            slot = j % NBUF
            gather(slot, j).wait()
            store(slot, j).start()
        for j in range(n_outer * NBUF - LAG, seq):
            store(j % NBUF, j).wait()

    return k(idx_t, table)


def kernel(inputs, table):
    out = _sc_gather(inputs.T, table)
    return out.transpose(1, 0, 2)

# --- scband reference (transcript-rebuilt; emitter-appended) ---
"""Pipeline reference for scband-base-text-classifier-47622597378370 (READ-ONLY COPY).

The authoritative reference and input builder live on the scoring server;
editing this copy changes nothing except your own understanding.
"""

import jax, jax.numpy as jnp
import numpy as np

VOCAB = 100000
EMBED = 128
BATCH = 4096
SEQ = 50

def setup_inputs(seed: int = 0) -> dict:
    key = jax.random.key(seed)
    k_idx, k_tab = jax.random.split(key)
    inputs = jax.random.randint(k_idx, (BATCH, SEQ), 0, VOCAB, dtype=jnp.int32)
    table = jax.random.normal(k_tab, (VOCAB, EMBED), dtype=jnp.float32) * 0.02
    # nn.Embedding(padding_idx=0) zeroes the padding row at init
    table = table.at[0].set(0.0)
    return {"inputs": inputs, "table": table}

def reference(inputs, table):
    # embed_inputs: index mode -> embedding lookup [batch, seq_len, embed_size]
    return jnp.take(table, inputs, axis=0)

if __name__ == "__main__":
    import jax
    _d = setup_inputs()
    print(jax.jit(kernel)(*tuple(_d.values())))

</pallas_src>

<mosaic_0001>
#map = affine_map<(d0, d1) -> (0, 0)>
#map1 = affine_map<(d0, d1) -> (0, 0, 0)>
module attributes {stable_mosaic.version = 14 : i64} {
  func.func @k(%arg0: i32, %arg1: i32, %arg2: memref<50x4096xi32, #tpu.memory_space<hbm>>, %arg3: memref<100000x128xf32, #tpu.memory_space<hbm>>, %arg4: memref<50x4096x128xf32, #tpu.memory_space<hbm>>, %arg5: memref<50x128xi32, #tpu.memory_space<vmem>>, %arg6: memref<7x128x128xf32, #tpu.memory_space<vmem>>, %arg7: memref<!tpu.dma_semaphore, #tpu.memory_space<semaphore_mem>>, %arg8: memref<!tpu.dma_semaphore, #tpu.memory_space<semaphore_mem>>, %arg9: memref<!tpu.dma_semaphore, #tpu.memory_space<semaphore_mem>>, %arg10: memref<!tpu.dma_semaphore, #tpu.memory_space<semaphore_mem>>, %arg11: memref<!tpu.dma_semaphore, #tpu.memory_space<semaphore_mem>>, %arg12: memref<!tpu.dma_semaphore, #tpu.memory_space<semaphore_mem>>, %arg13: memref<!tpu.dma_semaphore, #tpu.memory_space<semaphore_mem>>, %arg14: memref<!tpu.dma_semaphore, #tpu.memory_space<semaphore_mem>>, %arg15: memref<!tpu.dma_semaphore, #tpu.memory_space<semaphore_mem>>, %arg16: memref<!tpu.dma_semaphore, #tpu.memory_space<semaphore_mem>>, %arg17: memref<!tpu.dma_semaphore, #tpu.memory_space<semaphore_mem>>, %arg18: memref<!tpu.dma_semaphore, #tpu.memory_space<semaphore_mem>>, %arg19: memref<!tpu.dma_semaphore, #tpu.memory_space<semaphore_mem>>, %arg20: memref<!tpu.dma_semaphore, #tpu.memory_space<semaphore_mem>>) attributes {dimension_semantics = [#tpu.dimension_semantics<core_parallel>, #tpu.dimension_semantics<subcore_parallel>], iteration_bounds = array<i64: 2, 16>, scalar_prefetch = 0 : i64, scratch_operands = 16 : i64, tpu.core_type = #tpu.core_type<sc_vector_subcore>, window_params = [{transform_indices = #map}, {transform_indices = #map}, {transform_indices = #map1}]} {
    %mul3A = arith.constant 2 : i32
    %mul3A_0 = arith.muli %arg1, %mul3A : i32
    %add3A = arith.addi %mul3A_0, %arg0 : i32
    %mul3A_1 = arith.constant 128 : i32
    %mul3A_2 = arith.muli %add3A, %mul3A_1 : i32
    "tpu.region"() ({
      %run_scoped3A = tpu.sem_alloc : memref<!tpu.dma_semaphore, #tpu.memory_space<semaphore_mem>>
      %dma_start3A_177 = arith.constant 0 : i32
      %dma_start3A_178 = tpu.memref_slice %arg2[%dma_start3A_177, %mul3A_2] : memref<50x4096xi32, #tpu.memory_space<hbm>> -> memref<50x128xi32, #tpu.memory_space<hbm>>
      %dma_start3A_179 = arith.constant 0 : i32
      %dma_start3A_180 = tpu.memref_slice %arg2[%dma_start3A_179, %mul3A_2] : memref<50x4096xi32, #tpu.memory_space<hbm>> -> memref<50x128xi32, #tpu.memory_space<hbm>>
      tpu.enqueue_dma source(%dma_start3A_180 : memref<50x128xi32, #tpu.memory_space<hbm>>) target(%arg5 : memref<50x128xi32, #tpu.memory_space<vmem>>) target_semaphore(%run_scoped3A : memref<!tpu.dma_semaphore, #tpu.memory_space<semaphore_mem>>)
      %dma_wait3A_181 = arith.constant 0 : i32
      %dma_wait3A_182 = tpu.memref_slice %arg2[%dma_wait3A_181, %mul3A_2] : memref<50x4096xi32, #tpu.memory_space<hbm>> -> memref<50x128xi32, #tpu.memory_space<hbm>>
      %dma_wait3A_183 = arith.constant 0 : i32
      %dma_wait3A_184 = tpu.memref_slice %arg2[%dma_wait3A_183, %mul3A_2] : memref<50x4096xi32, #tpu.memory_space<hbm>> -> memref<50x128xi32, #tpu.memory_space<hbm>>
      tpu.wait_dma2 semaphore(%run_scoped3A : memref<!tpu.dma_semaphore, #tpu.memory_space<semaphore_mem>>) src(%dma_wait3A_184 : memref<50x128xi32, #tpu.memory_space<hbm>>) dst(%arg5 : memref<50x128xi32, #tpu.memory_space<vmem>>)
      tpu.yield
    }) : () -> ()
    %dma_start3A = arith.constant 0 : i32
    %dma_start3A_3 = arith.constant 0 : i32
    %dma_start3A_4 = arith.constant 0 : i32
    %dma_start3A_5 = arith.constant 0 : i32
    %dma_start3A_6 = tpu.memref_slice %arg6[%dma_start3A_3, %dma_start3A_4, %dma_start3A_5] : memref<7x128x128xf32, #tpu.memory_space<vmem>> -> memref<1x128x128xf32, #tpu.memory_space<vmem>>
    %dma_start3A_7 = tpu.memref_squeeze %dma_start3A_6 : memref<1x128x128xf32, #tpu.memory_space<vmem>> -> memref<128x128xf32, #tpu.memory_space<vmem>>
    %dma_start3A_8 = arith.constant 0 : i32
    %dma_start3A_9 = tpu.memref_slice %arg5[%dma_start3A, %dma_start3A_8] : memref<50x128xi32, #tpu.memory_space<vmem>> -> memref<1x128xi32, #tpu.memory_space<vmem>>
    %dma_start3A_10 = tpu.memref_squeeze %dma_start3A_9 : memref<1x128xi32, #tpu.memory_space<vmem>> -> memref<128xi32, #tpu.memory_space<vmem>>
    %dma_start3A_11 = arith.constant 0 : i32
    %dma_start3A_12 = arith.constant 0 : i32
    %dma_start3A_13 = tpu.memref_slice %arg3[%dma_start3A_11, %dma_start3A_12] : memref<100000x128xf32, #tpu.memory_space<hbm>> -> memref<100000x128xf32, #tpu.memory_space<hbm>>
    tpu.enqueue_indirect_dma source(%dma_start3A_13 : memref<100000x128xf32, #tpu.memory_space<hbm>>) target(%dma_start3A_7 : memref<128x128xf32, #tpu.memory_space<vmem>>) offsets(%dma_start3A_10 : memref<128xi32, #tpu.memory_space<vmem>>) semaphore(%arg7 : memref<!tpu.dma_semaphore, #tpu.memory_space<semaphore_mem>>)
    %dma_start3A_14 = arith.constant 1 : i32
    %dma_start3A_15 = arith.constant 1 : i32
    %dma_start3A_16 = arith.constant 0 : i32
    %dma_start3A_17 = arith.constant 0 : i32
    %dma_start3A_18 = tpu.memref_slice %arg6[%dma_start3A_15, %dma_start3A_16, %dma_start3A_17] : memref<7x128x128xf32, #tpu.memory_space<vmem>> -> memref<1x128x128xf32, #tpu.memory_space<vmem>>
    %dma_start3A_19 = tpu.memref_squeeze %dma_start3A_18 : memref<1x128x128xf32, #tpu.memory_space<vmem>> -> memref<128x128xf32, #tpu.memory_space<vmem>>
    %dma_start3A_20 = arith.constant 0 : i32
    %dma_start3A_21 = tpu.memref_slice %arg5[%dma_start3A_14, %dma_start3A_20] : memref<50x128xi32, #tpu.memory_space<vmem>> -> memref<1x128xi32, #tpu.memory_space<vmem>>
    %dma_start3A_22 = tpu.memref_squeeze %dma_start3A_21 : memref<1x128xi32, #tpu.memory_space<vmem>> -> memref<128xi32, #tpu.memory_space<vmem>>
    %dma_start3A_23 = arith.constant 0 : i32
    %dma_start3A_24 = arith.constant 0 : i32
    %dma_start3A_25 = tpu.memref_slice %arg3[%dma_start3A_23, %dma_start3A_24] : memref<100000x128xf32, #tpu.memory_space<hbm>> -> memref<100000x128xf32, #tpu.memory_space<hbm>>
    tpu.enqueue_indirect_dma source(%dma_start3A_25 : memref<100000x128xf32, #tpu.memory_space<hbm>>) target(%dma_start3A_19 : memref<128x128xf32, #tpu.memory_space<vmem>>) offsets(%dma_start3A_22 : memref<128xi32, #tpu.memory_space<vmem>>) semaphore(%arg8 : memref<!tpu.dma_semaphore, #tpu.memory_space<semaphore_mem>>)
    %dma_start3A_26 = arith.constant 2 : i32
    %dma_start3A_27 = arith.constant 2 : i32
    %dma_start3A_28 = arith.constant 0 : i32
    %dma_start3A_29 = arith.constant 0 : i32
    %dma_start3A_30 = tpu.memref_slice %arg6[%dma_start3A_27, %dma_start3A_28, %dma_start3A_29] : memref<7x128x128xf32, #tpu.memory_space<vmem>> -> memref<1x128x128xf32, #tpu.memory_space<vmem>>
    %dma_start3A_31 = tpu.memref_squeeze %dma_start3A_30 : memref<1x128x128xf32, #tpu.memory_space<vmem>> -> memref<128x128xf32, #tpu.memory_space<vmem>>
    %dma_start3A_32 = arith.constant 0 : i32
    %dma_start3A_33 = tpu.memref_slice %arg5[%dma_start3A_26, %dma_start3A_32] : memref<50x128xi32, #tpu.memory_space<vmem>> -> memref<1x128xi32, #tpu.memory_space<vmem>>
    %dma_start3A_34 = tpu.memref_squeeze %dma_start3A_33 : memref<1x128xi32, #tpu.memory_space<vmem>> -> memref<128xi32, #tpu.memory_space<vmem>>
    %dma_start3A_35 = arith.constant 0 : i32
    %dma_start3A_36 = arith.constant 0 : i32
    %dma_start3A_37 = tpu.memref_slice %arg3[%dma_start3A_35, %dma_start3A_36] : memref<100000x128xf32, #tpu.memory_space<hbm>> -> memref<100000x128xf32, #tpu.memory_space<hbm>>
    tpu.enqueue_indirect_dma source(%dma_start3A_37 : memref<100000x128xf32, #tpu.memory_space<hbm>>) target(%dma_start3A_31 : memref<128x128xf32, #tpu.memory_space<vmem>>) offsets(%dma_start3A_34 : memref<128xi32, #tpu.memory_space<vmem>>) semaphore(%arg9 : memref<!tpu.dma_semaphore, #tpu.memory_space<semaphore_mem>>)
    %dma_start3A_38 = arith.constant 3 : i32
    %dma_start3A_39 = arith.constant 3 : i32
    %dma_start3A_40 = arith.constant 0 : i32
    %dma_start3A_41 = arith.constant 0 : i32
    %dma_start3A_42 = tpu.memref_slice %arg6[%dma_start3A_39, %dma_start3A_40, %dma_start3A_41] : memref<7x128x128xf32, #tpu.memory_space<vmem>> -> memref<1x128x128xf32, #tpu.memory_space<vmem>>
    %dma_start3A_43 = tpu.memref_squeeze %dma_start3A_42 : memref<1x128x128xf32, #tpu.memory_space<vmem>> -> memref<128x128xf32, #tpu.memory_space<vmem>>
    %dma_start3A_44 = arith.constant 0 : i32
    %dma_start3A_45 = tpu.memref_slice %arg5[%dma_start3A_38, %dma_start3A_44] : memref<50x128xi32, #tpu.memory_space<vmem>> -> memref<1x128xi32, #tpu.memory_space<vmem>>
    %dma_start3A_46 = tpu.memref_squeeze %dma_start3A_45 : memref<1x128xi32, #tpu.memory_space<vmem>> -> memref<128xi32, #tpu.memory_space<vmem>>
    %dma_start3A_47 = arith.constant 0 : i32
    %dma_start3A_48 = arith.constant 0 : i32
    %dma_start3A_49 = tpu.memref_slice %arg3[%dma_start3A_47, %dma_start3A_48] : memref<100000x128xf32, #tpu.memory_space<hbm>> -> memref<100000x128xf32, #tpu.memory_space<hbm>>
    tpu.enqueue_indirect_dma source(%dma_start3A_49 : memref<100000x128xf32, #tpu.memory_space<hbm>>) target(%dma_start3A_43 : memref<128x128xf32, #tpu.memory_space<vmem>>) offsets(%dma_start3A_46 : memref<128xi32, #tpu.memory_space<vmem>>) semaphore(%arg10 : memref<!tpu.dma_semaphore, #tpu.memory_space<semaphore_mem>>)
    %scan3A = arith.constant 0 : i32
    %scan3A_50 = arith.constant 0 : i32
    %scan3A_51 = arith.constant 7 : i32
    %scan3A_52 = arith.addi %scan3A_50, %scan3A_51 : i32
    %scan3A_53 = arith.constant 1 : i32
    %scan3A_54 = scf.for %scan3A_177 = %scan3A_50 to %scan3A_52 step %scan3A_53 iter_args(%scan3A_178 = %scan3A) -> (i32)  : i32 {
      %mul3A_179 = arith.constant 7 : i32
      %mul3A_180 = arith.muli %scan3A_177, %mul3A_179 : i32
      %add3A_181 = arith.constant 0 : i32
      %add3A_182 = arith.addi %mul3A_180, %add3A_181 : i32
      %dma_wait3A_183 = arith.constant 0 : i32
      %dma_wait3A_184 = arith.constant 0 : i32
      %dma_wait3A_185 = arith.constant 0 : i32
      %dma_wait3A_186 = tpu.memref_slice %arg6[%dma_wait3A_183, %dma_wait3A_184, %dma_wait3A_185] : memref<7x128x128xf32, #tpu.memory_space<vmem>> -> memref<1x128x128xf32, #tpu.memory_space<vmem>>
      %dma_wait3A_187 = tpu.memref_squeeze %dma_wait3A_186 : memref<1x128x128xf32, #tpu.memory_space<vmem>> -> memref<128x128xf32, #tpu.memory_space<vmem>>
      %dma_wait3A_188 = arith.constant 0 : i32
      %dma_wait3A_189 = tpu.memref_slice %arg5[%add3A_182, %dma_wait3A_188] : memref<50x128xi32, #tpu.memory_space<vmem>> -> memref<1x128xi32, #tpu.memory_space<vmem>>
      %dma_wait3A_190 = tpu.memref_squeeze %dma_wait3A_189 : memref<1x128xi32, #tpu.memory_space<vmem>> -> memref<128xi32, #tpu.memory_space<vmem>>
      %dma_wait3A_191 = arith.constant 0 : i32
      %dma_wait3A_192 = arith.constant 0 : i32
      %dma_wait3A_193 = tpu.memref_slice %arg3[%dma_wait3A_191, %dma_wait3A_192] : memref<100000x128xf32, #tpu.memory_space<hbm>> -> memref<100000x128xf32, #tpu.memory_space<hbm>>
      tpu.wait_indirect_dma semaphore(%arg7 : memref<!tpu.dma_semaphore, #tpu.memory_space<semaphore_mem>>) src(%dma_wait3A_193 : memref<100000x128xf32, #tpu.memory_space<hbm>>) dst(%dma_wait3A_187 : memref<128x128xf32, #tpu.memory_space<vmem>>)
      %dma_start3A_194 = arith.constant 0 : i32
      %dma_start3A_195 = arith.constant 0 : i32
      %dma_start3A_196 = arith.constant 0 : i32
      %dma_start3A_197 = tpu.memref_slice %arg6[%dma_start3A_194, %dma_start3A_195, %dma_start3A_196] : memref<7x128x128xf32, #tpu.memory_space<vmem>> -> memref<1x128x128xf32, #tpu.memory_space<vmem>>
      %dma_start3A_198 = tpu.memref_squeeze %dma_start3A_197 : memref<1x128x128xf32, #tpu.memory_space<vmem>> -> memref<128x128xf32, #tpu.memory_space<vmem>>
      %dma_start3A_199 = arith.constant 0 : i32
      %dma_start3A_200 = arith.constant 0 : i32
      %dma_start3A_201 = tpu.memref_slice %arg4[%add3A_182, %dma_start3A_199, %dma_start3A_200] : memref<50x4096x128xf32, #tpu.memory_space<hbm>> -> memref<1x4096x128xf32, #tpu.memory_space<hbm>>
      %dma_start3A_202 = tpu.memref_squeeze %dma_start3A_201 : memref<1x4096x128xf32, #tpu.memory_space<hbm>> -> memref<4096x128xf32, #tpu.memory_space<hbm>>
      %dma_start3A_203 = arith.constant 0 : i32
      %dma_start3A_204 = tpu.memref_slice %dma_start3A_202[%mul3A_2, %dma_start3A_203] : memref<4096x128xf32, #tpu.memory_space<hbm>> -> memref<128x128xf32, #tpu.memory_space<hbm>>
      %dma_start3A_205 = arith.constant 0 : i32
      %dma_start3A_206 = arith.constant 0 : i32
      %dma_start3A_207 = tpu.memref_slice %arg4[%add3A_182, %dma_start3A_205, %dma_start3A_206] : memref<50x4096x128xf32, #tpu.memory_space<hbm>> -> memref<1x4096x128xf32, #tpu.memory_space<hbm>>
      %dma_start3A_208 = tpu.memref_squeeze %dma_start3A_207 : memref<1x4096x128xf32, #tpu.memory_space<hbm>> -> memref<4096x128xf32, #tpu.memory_space<hbm>>
      %dma_start3A_209 = arith.constant 0 : i32
      %dma_start3A_210 = tpu.memref_slice %dma_start3A_208[%mul3A_2, %dma_start3A_209] : memref<4096x128xf32, #tpu.memory_space<hbm>> -> memref<128x128xf32, #tpu.memory_space<hbm>>
      %dma_start3A_211 = arith.constant 0 : i32
      %dma_start3A_212 = arith.constant 0 : i32
      %dma_start3A_213 = tpu.memref_slice %arg6[%dma_start3A_194, %dma_start3A_211, %dma_start3A_212] : memref<7x128x128xf32, #tpu.memory_space<vmem>> -> memref<1x128x128xf32, #tpu.memory_space<vmem>>
      %dma_start3A_214 = tpu.memref_squeeze %dma_start3A_213 : memref<1x128x128xf32, #tpu.memory_space<vmem>> -> memref<128x128xf32, #tpu.memory_space<vmem>>
      tpu.enqueue_dma source(%dma_start3A_214 : memref<128x128xf32, #tpu.memory_space<vmem>>) target(%dma_start3A_210 : memref<128x128xf32, #tpu.memory_space<hbm>>) target_semaphore(%arg14 : memref<!tpu.dma_semaphore, #tpu.memory_space<semaphore_mem>>)
      %gt3A = arith.constant 0 : i32
      %gt3A_215 = arith.cmpi sgt, %scan3A_177, %gt3A : i32
      %convert_element_type3A = arith.extui %gt3A_215 : i1 to i32
      %cond3A = arith.constant 0 : i32
      %cond3A_216 = arith.cmpi ne, %convert_element_type3A, %cond3A : i32
      scf.if %cond3A_216 {
        %sub3A_601 = arith.constant 3 : i32
        %sub3A_602 = arith.subi %add3A_182, %sub3A_601 : i32
        %dma_wait3A_603 = arith.constant 4 : i32
        %dma_wait3A_604 = arith.constant 0 : i32
        %dma_wait3A_605 = arith.constant 0 : i32
        %dma_wait3A_606 = tpu.memref_slice %arg6[%dma_wait3A_603, %dma_wait3A_604, %dma_wait3A_605] : memref<7x128x128xf32, #tpu.memory_space<vmem>> -> memref<1x128x128xf32, #tpu.memory_space<vmem>>
        %dma_wait3A_607 = tpu.memref_squeeze %dma_wait3A_606 : memref<1x128x128xf32, #tpu.memory_space<vmem>> -> memref<128x128xf32, #tpu.memory_space<vmem>>
        %dma_wait3A_608 = arith.constant 0 : i32
        %dma_wait3A_609 = arith.constant 0 : i32
        %dma_wait3A_610 = tpu.memref_slice %arg4[%sub3A_602, %dma_wait3A_608, %dma_wait3A_609] : memref<50x4096x128xf32, #tpu.memory_space<hbm>> -> memref<1x4096x128xf32, #tpu.memory_space<hbm>>
        %dma_wait3A_611 = tpu.memref_squeeze %dma_wait3A_610 : memref<1x4096x128xf32, #tpu.memory_space<hbm>> -> memref<4096x128xf32, #tpu.memory_space<hbm>>
        %dma_wait3A_612 = arith.constant 0 : i32
        %dma_wait3A_613 = tpu.memref_slice %dma_wait3A_611[%mul3A_2, %dma_wait3A_612] : memref<4096x128xf32, #tpu.memory_space<hbm>> -> memref<128x128xf32, #tpu.memory_space<hbm>>
        %dma_wait3A_614 = arith.constant 0 : i32
        %dma_wait3A_615 = arith.constant 0 : i32
        %dma_wait3A_616 = tpu.memref_slice %arg4[%sub3A_602, %dma_wait3A_614, %dma_wait3A_615] : memref<50x4096x128xf32, #tpu.memory_space<hbm>> -> memref<1x4096x128xf32, #tpu.memory_space<hbm>>
        %dma_wait3A_617 = tpu.memref_squeeze %dma_wait3A_616 : memref<1x4096x128xf32, #tpu.memory_space<hbm>> -> memref<4096x128xf32, #tpu.memory_space<hbm>>
        %dma_wait3A_618 = arith.constant 0 : i32
        %dma_wait3A_619 = tpu.memref_slice %dma_wait3A_617[%mul3A_2, %dma_wait3A_618] : memref<4096x128xf32, #tpu.memory_space<hbm>> -> memref<128x128xf32, #tpu.memory_space<hbm>>
        %dma_wait3A_620 = arith.constant 0 : i32
        %dma_wait3A_621 = arith.constant 0 : i32
        %dma_wait3A_622 = tpu.memref_slice %arg6[%dma_wait3A_603, %dma_wait3A_620, %dma_wait3A_621] : memref<7x128x128xf32, #tpu.memory_space<vmem>> -> memref<1x128x128xf32, #tpu.memory_space<vmem>>
        %dma_wait3A_623 = tpu.memref_squeeze %dma_wait3A_622 : memref<1x128x128xf32, #tpu.memory_space<vmem>> -> memref<128x128xf32, #tpu.memory_space<vmem>>
        tpu.wait_dma2 semaphore(%arg18 : memref<!tpu.dma_semaphore, #tpu.memory_space<semaphore_mem>>) src(%dma_wait3A_623 : memref<128x128xf32, #tpu.memory_space<vmem>>) dst(%dma_wait3A_619 : memref<128x128xf32, #tpu.memory_space<hbm>>)
      } else {
      }
      %add3A_217 = arith.constant 4 : i32
      %add3A_218 = arith.addi %add3A_182, %add3A_217 : i32
      %dma_start3A_219 = arith.constant 4 : i32
      %dma_start3A_220 = arith.constant 0 : i32
      %dma_start3A_221 = arith.constant 0 : i32
      %dma_start3A_222 = tpu.memref_slice %arg6[%dma_start3A_219, %dma_start3A_220, %dma_start3A_221] : memref<7x128x128xf32, #tpu.memory_space<vmem>> -> memref<1x128x128xf32, #tpu.memory_space<vmem>>
      %dma_start3A_223 = tpu.memref_squeeze %dma_start3A_222 : memref<1x128x128xf32, #tpu.memory_space<vmem>> -> memref<128x128xf32, #tpu.memory_space<vmem>>
      %dma_start3A_224 = arith.constant 0 : i32
      %dma_start3A_225 = tpu.memref_slice %arg5[%add3A_218, %dma_start3A_224] : memref<50x128xi32, #tpu.memory_space<vmem>> -> memref<1x128xi32, #tpu.memory_space<vmem>>
      %dma_start3A_226 = tpu.memref_squeeze %dma_start3A_225 : memref<1x128xi32, #tpu.memory_space<vmem>> -> memref<128xi32, #tpu.memory_space<vmem>>
      %dma_start3A_227 = arith.constant 0 : i32
      %dma_start3A_228 = arith.constant 0 : i32
      %dma_start3A_229 = tpu.memref_slice %arg3[%dma_start3A_227, %dma_start3A_228] : memref<100000x128xf32, #tpu.memory_space<hbm>> -> memref<100000x128xf32, #tpu.memory_space<hbm>>
      tpu.enqueue_indirect_dma source(%dma_start3A_229 : memref<100000x128xf32, #tpu.memory_space<hbm>>) target(%dma_start3A_223 : memref<128x128xf32, #tpu.memory_space<vmem>>) offsets(%dma_start3A_226 : memref<128xi32, #tpu.memory_space<vmem>>) semaphore(%arg11 : memref<!tpu.dma_semaphore, #tpu.memory_space<semaphore_mem>>)
      %mul3A_230 = arith.constant 7 : i32
      %mul3A_231 = arith.muli %scan3A_177, %mul3A_230 : i32
      %add3A_232 = arith.constant 1 : i32
      %add3A_233 = arith.addi %mul3A_231, %add3A_232 : i32
      %dma_wait3A_234 = arith.constant 1 : i32
      %dma_wait3A_235 = arith.constant 0 : i32
      %dma_wait3A_236 = arith.constant 0 : i32
      %dma_wait3A_237 = tpu.memref_slice %arg6[%dma_wait3A_234, %dma_wait3A_235, %dma_wait3A_236] : memref<7x128x128xf32, #tpu.memory_space<vmem>> -> memref<1x128x128xf32, #tpu.memory_space<vmem>>
      %dma_wait3A_238 = tpu.memref_squeeze %dma_wait3A_237 : memref<1x128x128xf32, #tpu.memory_space<vmem>> -> memref<128x128xf32, #tpu.memory_space<vmem>>
      %dma_wait3A_239 = arith.constant 0 : i32
      %dma_wait3A_240 = tpu.memref_slice %arg5[%add3A_233, %dma_wait3A_239] : memref<50x128xi32, #tpu.memory_space<vmem>> -> memref<1x128xi32, #tpu.memory_space<vmem>>
      %dma_wait3A_241 = tpu.memref_squeeze %dma_wait3A_240 : memref<1x128xi32, #tpu.memory_space<vmem>> -> memref<128xi32, #tpu.memory_space<vmem>>
      %dma_wait3A_242 = arith.constant 0 : i32
      %dma_wait3A_243 = arith.constant 0 : i32
      %dma_wait3A_244 = tpu.memref_slice %arg3[%dma_wait3A_242, %dma_wait3A_243] : memref<100000x128xf32, #tpu.memory_space<hbm>> -> memref<100000x128xf32, #tpu.memory_space<hbm>>
      tpu.wait_indirect_dma semaphore(%arg8 : memref<!tpu.dma_semaphore, #tpu.memory_space<semaphore_mem>>) src(%dma_wait3A_244 : memref<100000x128xf32, #tpu.memory_space<hbm>>) dst(%dma_wait3A_238 : memref<128x128xf32, #tpu.memory_space<vmem>>)
      %dma_start3A_245 = arith.constant 1 : i32
      %dma_start3A_246 = arith.constant 0 : i32
      %dma_start3A_247 = arith.constant 0 : i32
      %dma_start3A_248 = tpu.memref_slice %arg6[%dma_start3A_245, %dma_start3A_246, %dma_start3A_247] : memref<7x128x128xf32, #tpu.memory_space<vmem>> -> memref<1x128x128xf32, #tpu.memory_space<vmem>>
      %dma_start3A_249 = tpu.memref_squeeze %dma_start3A_248 : memref<1x128x128xf32, #tpu.memory_space<vmem>> -> memref<128x128xf32, #tpu.memory_space<vmem>>
      %dma_start3A_250 = arith.constant 0 : i32
      %dma_start3A_251 = arith.constant 0 : i32
      %dma_start3A_252 = tpu.memref_slice %arg4[%add3A_233, %dma_start3A_250, %dma_start3A_251] : memref<50x4096x128xf32, #tpu.memory_space<hbm>> -> memref<1x4096x128xf32, #tpu.memory_space<hbm>>
      %dma_start3A_253 = tpu.memref_squeeze %dma_start3A_252 : memref<1x4096x128xf32, #tpu.memory_space<hbm>> -> memref<4096x128xf32, #tpu.memory_space<hbm>>
      %dma_start3A_254 = arith.constant 0 : i32
      %dma_start3A_255 = tpu.memref_slice %dma_start3A_253[%mul3A_2, %dma_start3A_254] : memref<4096x128xf32, #tpu.memory_space<hbm>> -> memref<128x128xf32, #tpu.memory_space<hbm>>
      %dma_start3A_256 = arith.constant 0 : i32
      %dma_start3A_257 = arith.constant 0 : i32
      %dma_start3A_258 = tpu.memref_slice %arg4[%add3A_233, %dma_start3A_256, %dma_start3A_257] : memref<50x4096x128xf32, #tpu.memory_space<hbm>> -> memref<1x4096x128xf32, #tpu.memory_space<hbm>>
      %dma_start3A_259 = tpu.memref_squeeze %dma_start3A_258 : memref<1x4096x128xf32, #tpu.memory_space<hbm>> -> memref<4096x128xf32, #tpu.memory_space<hbm>>
      %dma_start3A_260 = arith.constant 0 : i32
      %dma_start3A_261 = tpu.memref_slice %dma_start3A_259[%mul3A_2, %dma_start3A_260] : memref<4096x128xf32, #tpu.memory_space<hbm>> -> memref<128x128xf32, #tpu.memory_space<hbm>>
      %dma_start3A_262 = arith.constant 0 : i32
      %dma_start3A_263 = arith.constant 0 : i32
      %dma_start3A_264 = tpu.memref_slice %arg6[%dma_start3A_245, %dma_start3A_262, %dma_start3A_263] : memref<7x128x128xf32, #tpu.memory_space<vmem>> -> memref<1x128x128xf32, #tpu.memory_space<vmem>>
      %dma_start3A_265 = tpu.memref_squeeze %dma_start3A_264 : memref<1x128x128xf32, #tpu.memory_space<vmem>> -> memref<128x128xf32, #tpu.memory_space<vmem>>
      tpu.enqueue_dma source(%dma_start3A_265 : memref<128x128xf32, #tpu.memory_space<vmem>>) target(%dma_start3A_261 : memref<128x128xf32, #tpu.memory_space<hbm>>) target_semaphore(%arg15 : memref<!tpu.dma_semaphore, #tpu.memory_space<semaphore_mem>>)
      %gt3A_266 = arith.constant 0 : i32
      %gt3A_267 = arith.cmpi sgt, %scan3A_177, %gt3A_266 : i32
      %convert_element_type3A_268 = arith.extui %gt3A_267 : i1 to i32
      %cond3A_269 = arith.constant 0 : i32
      %cond3A_270 = arith.cmpi ne, %convert_element_type3A_268, %cond3A_269 : i32
      scf.if %cond3A_270 {
        %sub3A_601 = arith.constant 3 : i32
        %sub3A_602 = arith.subi %add3A_233, %sub3A_601 : i32
        %dma_wait3A_603 = arith.constant 5 : i32
        %dma_wait3A_604 = arith.constant 0 : i32
        %dma_wait3A_605 = arith.constant 0 : i32
        %dma_wait3A_606 = tpu.memref_slice %arg6[%dma_wait3A_603, %dma_wait3A_604, %dma_wait3A_605] : memref<7x128x128xf32, #tpu.memory_space<vmem>> -> memref<1x128x128xf32, #tpu.memory_space<vmem>>
        %dma_wait3A_607 = tpu.memref_squeeze %dma_wait3A_606 : memref<1x128x128xf32, #tpu.memory_space<vmem>> -> memref<128x128xf32, #tpu.memory_space<vmem>>
        %dma_wait3A_608 = arith.constant 0 : i32
        %dma_wait3A_609 = arith.constant 0 : i32
        %dma_wait3A_610 = tpu.memref_slice %arg4[%sub3A_602, %dma_wait3A_608, %dma_wait3A_609] : memref<50x4096x128xf32, #tpu.memory_space<hbm>> -> memref<1x4096x128xf32, #tpu.memory_space<hbm>>
        %dma_wait3A_611 = tpu.memref_squeeze %dma_wait3A_610 : memref<1x4096x128xf32, #tpu.memory_space<hbm>> -> memref<4096x128xf32, #tpu.memory_space<hbm>>
        %dma_wait3A_612 = arith.constant 0 : i32
        %dma_wait3A_613 = tpu.memref_slice %dma_wait3A_611[%mul3A_2, %dma_wait3A_612] : memref<4096x128xf32, #tpu.memory_space<hbm>> -> memref<128x128xf32, #tpu.memory_space<hbm>>
        %dma_wait3A_614 = arith.constant 0 : i32
        %dma_wait3A_615 = arith.constant 0 : i32
        %dma_wait3A_616 = tpu.memref_slice %arg4[%sub3A_602, %dma_wait3A_614, %dma_wait3A_615] : memref<50x4096x128xf32, #tpu.memory_space<hbm>> -> memref<1x4096x128xf32, #tpu.memory_space<hbm>>
        %dma_wait3A_617 = tpu.memref_squeeze %dma_wait3A_616 : memref<1x4096x128xf32, #tpu.memory_space<hbm>> -> memref<4096x128xf32, #tpu.memory_space<hbm>>
        %dma_wait3A_618 = arith.constant 0 : i32
        %dma_wait3A_619 = tpu.memref_slice %dma_wait3A_617[%mul3A_2, %dma_wait3A_618] : memref<4096x128xf32, #tpu.memory_space<hbm>> -> memref<128x128xf32, #tpu.memory_space<hbm>>
        %dma_wait3A_620 = arith.constant 0 : i32
        %dma_wait3A_621 = arith.constant 0 : i32
        %dma_wait3A_622 = tpu.memref_slice %arg6[%dma_wait3A_603, %dma_wait3A_620, %dma_wait3A_621] : memref<7x128x128xf32, #tpu.memory_space<vmem>> -> memref<1x128x128xf32, #tpu.memory_space<vmem>>
        %dma_wait3A_623 = tpu.memref_squeeze %dma_wait3A_622 : memref<1x128x128xf32, #tpu.memory_space<vmem>> -> memref<128x128xf32, #tpu.memory_space<vmem>>
        tpu.wait_dma2 semaphore(%arg19 : memref<!tpu.dma_semaphore, #tpu.memory_space<semaphore_mem>>) src(%dma_wait3A_623 : memref<128x128xf32, #tpu.memory_space<vmem>>) dst(%dma_wait3A_619 : memref<128x128xf32, #tpu.memory_space<hbm>>)
      } else {
      }
      %add3A_271 = arith.constant 4 : i32
      %add3A_272 = arith.addi %add3A_233, %add3A_271 : i32
      %dma_start3A_273 = arith.constant 5 : i32
      %dma_start3A_274 = arith.constant 0 : i32
      %dma_start3A_275 = arith.constant 0 : i32
      %dma_start3A_276 = tpu.memref_slice %arg6[%dma_start3A_273, %dma_start3A_274, %dma_start3A_275] : memref<7x128x128xf32, #tpu.memory_space<vmem>> -> memref<1x128x128xf32, #tpu.memory_space<vmem>>
      %dma_start3A_277 = tpu.memref_squeeze %dma_start3A_276 : memref<1x128x128xf32, #tpu.memory_space<vmem>> -> memref<128x128xf32, #tpu.memory_space<vmem>>
      %dma_start3A_278 = arith.constant 0 : i32
      %dma_start3A_279 = tpu.memref_slice %arg5[%add3A_272, %dma_start3A_278] : memref<50x128xi32, #tpu.memory_space<vmem>> -> memref<1x128xi32, #tpu.memory_space<vmem>>
      %dma_start3A_280 = tpu.memref_squeeze %dma_start3A_279 : memref<1x128xi32, #tpu.memory_space<vmem>> -> memref<128xi32, #tpu.memory_space<vmem>>
      %dma_start3A_281 = arith.constant 0 : i32
      %dma_start3A_282 = arith.constant 0 : i32
      %dma_start3A_283 = tpu.memref_slice %arg3[%dma_start3A_281, %dma_start3A_282] : memref<100000x128xf32, #tpu.memory_space<hbm>> -> memref<100000x128xf32, #tpu.memory_space<hbm>>
      tpu.enqueue_indirect_dma source(%dma_start3A_283 : memref<100000x128xf32, #tpu.memory_space<hbm>>) target(%dma_start3A_277 : memref<128x128xf32, #tpu.memory_space<vmem>>) offsets(%dma_start3A_280 : memref<128xi32, #tpu.memory_space<vmem>>) semaphore(%arg12 : memref<!tpu.dma_semaphore, #tpu.memory_space<semaphore_mem>>)
      %mul3A_284 = arith.constant 7 : i32
      %mul3A_285 = arith.muli %scan3A_177, %mul3A_284 : i32
      %add3A_286 = arith.constant 2 : i32
      %add3A_287 = arith.addi %mul3A_285, %add3A_286 : i32
      %dma_wait3A_288 = arith.constant 2 : i32
      %dma_wait3A_289 = arith.constant 0 : i32
      %dma_wait3A_290 = arith.constant 0 : i32
      %dma_wait3A_291 = tpu.memref_slice %arg6[%dma_wait3A_288, %dma_wait3A_289, %dma_wait3A_290] : memref<7x128x128xf32, #tpu.memory_space<vmem>> -> memref<1x128x128xf32, #tpu.memory_space<vmem>>
      %dma_wait3A_292 = tpu.memref_squeeze %dma_wait3A_291 : memref<1x128x128xf32, #tpu.memory_space<vmem>> -> memref<128x128xf32, #tpu.memory_space<vmem>>
      %dma_wait3A_293 = arith.constant 0 : i32
      %dma_wait3A_294 = tpu.memref_slice %arg5[%add3A_287, %dma_wait3A_293] : memref<50x128xi32, #tpu.memory_space<vmem>> -> memref<1x128xi32, #tpu.memory_space<vmem>>
      %dma_wait3A_295 = tpu.memref_squeeze %dma_wait3A_294 : memref<1x128xi32, #tpu.memory_space<vmem>> -> memref<128xi32, #tpu.memory_space<vmem>>
      %dma_wait3A_296 = arith.constant 0 : i32
      %dma_wait3A_297 = arith.constant 0 : i32
      %dma_wait3A_298 = tpu.memref_slice %arg3[%dma_wait3A_296, %dma_wait3A_297] : memref<100000x128xf32, #tpu.memory_space<hbm>> -> memref<100000x128xf32, #tpu.memory_space<hbm>>
      tpu.wait_indirect_dma semaphore(%arg9 : memref<!tpu.dma_semaphore, #tpu.memory_space<semaphore_mem>>) src(%dma_wait3A_298 : memref<100000x128xf32, #tpu.memory_space<hbm>>) dst(%dma_wait3A_292 : memref<128x128xf32, #tpu.memory_space<vmem>>)
      %dma_start3A_299 = arith.constant 2 : i32
      %dma_start3A_300 = arith.constant 0 : i32
      %dma_start3A_301 = arith.constant 0 : i32
      %dma_start3A_302 = tpu.memref_slice %arg6[%dma_start3A_299, %dma_start3A_300, %dma_start3A_301] : memref<7x128x128xf32, #tpu.memory_space<vmem>> -> memref<1x128x128xf32, #tpu.memory_space<vmem>>
      %dma_start3A_303 = tpu.memref_squeeze %dma_start3A_302 : memref<1x128x128xf32, #tpu.memory_space<vmem>> -> memref<128x128xf32, #tpu.memory_space<vmem>>
      %dma_start3A_304 = arith.constant 0 : i32
      %dma_start3A_305 = arith.constant 0 : i32
      %dma_start3A_306 = tpu.memref_slice %arg4[%add3A_287, %dma_start3A_304, %dma_start3A_305] : memref<50x4096x128xf32, #tpu.memory_space<hbm>> -> memref<1x4096x128xf32, #tpu.memory_space<hbm>>
      %dma_start3A_307 = tpu.memref_squeeze %dma_start3A_306 : memref<1x4096x128xf32, #tpu.memory_space<hbm>> -> memref<4096x128xf32, #tpu.memory_space<hbm>>
      %dma_start3A_308 = arith.constant 0 : i32
      %dma_start3A_309 = tpu.memref_slice %dma_start3A_307[%mul3A_2, %dma_start3A_308] : memref<4096x128xf32, #tpu.memory_space<hbm>> -> memref<128x128xf32, #tpu.memory_space<hbm>>
      %dma_start3A_310 = arith.constant 0 : i32
      %dma_start3A_311 = arith.constant 0 : i32
      %dma_start3A_312 = tpu.memref_slice %arg4[%add3A_287, %dma_start3A_310, %dma_start3A_311] : memref<50x4096x128xf32, #tpu.memory_space<hbm>> -> memref<1x4096x128xf32, #tpu.memory_space<hbm>>
      %dma_start3A_313 = tpu.memref_squeeze %dma_start3A_312 : memref<1x4096x128xf32, #tpu.memory_space<hbm>> -> memref<4096x128xf32, #tpu.memory_space<hbm>>
      %dma_start3A_314 = arith.constant 0 : i32
      %dma_start3A_315 = tpu.memref_slice %dma_start3A_313[%mul3A_2, %dma_start3A_314] : memref<4096x128xf32, #tpu.memory_space<hbm>> -> memref<128x128xf32, #tpu.memory_space<hbm>>
      %dma_start3A_316 = arith.constant 0 : i32
      %dma_start3A_317 = arith.constant 0 : i32
      %dma_start3A_318 = tpu.memref_slice %arg6[%dma_start3A_299, %dma_start3A_316, %dma_start3A_317] : memref<7x128x128xf32, #tpu.memory_space<vmem>> -> memref<1x128x128xf32, #tpu.memory_space<vmem>>
      %dma_start3A_319 = tpu.memref_squeeze %dma_start3A_318 : memref<1x128x128xf32, #tpu.memory_space<vmem>> -> memref<128x128xf32, #tpu.memory_space<vmem>>
      tpu.enqueue_dma source(%dma_start3A_319 : memref<128x128xf32, #tpu.memory_space<vmem>>) target(%dma_start3A_315 : memref<128x128xf32, #tpu.memory_space<hbm>>) target_semaphore(%arg16 : memref<!tpu.dma_semaphore, #tpu.memory_space<semaphore_mem>>)
      %gt3A_320 = arith.constant 0 : i32
      %gt3A_321 = arith.cmpi sgt, %scan3A_177, %gt3A_320 : i32
      %convert_element_type3A_322 = arith.extui %gt3A_321 : i1 to i32
      %cond3A_323 = arith.constant 0 : i32
      %cond3A_324 = arith.cmpi ne, %convert_element_type3A_322, %cond3A_323 : i32
      scf.if %cond3A_324 {
        %sub3A_601 = arith.constant 3 : i32
        %sub3A_602 = arith.subi %add3A_287, %sub3A_601 : i32
        %dma_wait3A_603 = arith.constant 6 : i32
        %dma_wait3A_604 = arith.constant 0 : i32
        %dma_wait3A_605 = arith.constant 0 : i32
        %dma_wait3A_606 = tpu.memref_slice %arg6[%dma_wait3A_603, %dma_wait3A_604, %dma_wait3A_605] : memref<7x128x128xf32, #tpu.memory_space<vmem>> -> memref<1x128x128xf32, #tpu.memory_space<vmem>>
        %dma_wait3A_607 = tpu.memref_squeeze %dma_wait3A_606 : memref<1x128x128xf32, #tpu.memory_space<vmem>> -> memref<128x128xf32, #tpu.memory_space<vmem>>
        %dma_wait3A_608 = arith.constant 0 : i32
        %dma_wait3A_609 = arith.constant 0 : i32
        %dma_wait3A_610 = tpu.memref_slice %arg4[%sub3A_602, %dma_wait3A_608, %dma_wait3A_609] : memref<50x4096x128xf32, #tpu.memory_space<hbm>> -> memref<1x4096x128xf32, #tpu.memory_space<hbm>>
        %dma_wait3A_611 = tpu.memref_squeeze %dma_wait3A_610 : memref<1x4096x128xf32, #tpu.memory_space<hbm>> -> memref<4096x128xf32, #tpu.memory_space<hbm>>
        %dma_wait3A_612 = arith.constant 0 : i32
        %dma_wait3A_613 = tpu.memref_slice %dma_wait3A_611[%mul3A_2, %dma_wait3A_612] : memref<4096x128xf32, #tpu.memory_space<hbm>> -> memref<128x128xf32, #tpu.memory_space<hbm>>
        %dma_wait3A_614 = arith.constant 0 : i32
        %dma_wait3A_615 = arith.constant 0 : i32
        %dma_wait3A_616 = tpu.memref_slice %arg4[%sub3A_602, %dma_wait3A_614, %dma_wait3A_615] : memref<50x4096x128xf32, #tpu.memory_space<hbm>> -> memref<1x4096x128xf32, #tpu.memory_space<hbm>>
        %dma_wait3A_617 = tpu.memref_squeeze %dma_wait3A_616 : memref<1x4096x128xf32, #tpu.memory_space<hbm>> -> memref<4096x128xf32, #tpu.memory_space<hbm>>
        %dma_wait3A_618 = arith.constant 0 : i32
        %dma_wait3A_619 = tpu.memref_slice %dma_wait3A_617[%mul3A_2, %dma_wait3A_618] : memref<4096x128xf32, #tpu.memory_space<hbm>> -> memref<128x128xf32, #tpu.memory_space<hbm>>
        %dma_wait3A_620 = arith.constant 0 : i32
        %dma_wait3A_621 = arith.constant 0 : i32
        %dma_wait3A_622 = tpu.memref_slice %arg6[%dma_wait3A_603, %dma_wait3A_620, %dma_wait3A_621] : memref<7x128x128xf32, #tpu.memory_space<vmem>> -> memref<1x128x128xf32, #tpu.memory_space<vmem>>
        %dma_wait3A_623 = tpu.memref_squeeze %dma_wait3A_622 : memref<1x128x128xf32, #tpu.memory_space<vmem>> -> memref<128x128xf32, #tpu.memory_space<vmem>>
        tpu.wait_dma2 semaphore(%arg20 : memref<!tpu.dma_semaphore, #tpu.memory_space<semaphore_mem>>) src(%dma_wait3A_623 : memref<128x128xf32, #tpu.memory_space<vmem>>) dst(%dma_wait3A_619 : memref<128x128xf32, #tpu.memory_space<hbm>>)
      } else {
      }
      %add3A_325 = arith.constant 4 : i32
      %add3A_326 = arith.addi %add3A_287, %add3A_325 : i32
      %dma_start3A_327 = arith.constant 6 : i32
      %dma_start3A_328 = arith.constant 0 : i32
      %dma_start3A_329 = arith.constant 0 : i32
      %dma_start3A_330 = tpu.memref_slice %arg6[%dma_start3A_327, %dma_start3A_328, %dma_start3A_329] : memref<7x128x128xf32, #tpu.memory_space<vmem>> -> memref<1x128x128xf32, #tpu.memory_space<vmem>>
      %dma_start3A_331 = tpu.memref_squeeze %dma_start3A_330 : memref<1x128x128xf32, #tpu.memory_space<vmem>> -> memref<128x128xf32, #tpu.memory_space<vmem>>
      %dma_start3A_332 = arith.constant 0 : i32
      %dma_start3A_333 = tpu.memref_slice %arg5[%add3A_326, %dma_start3A_332] : memref<50x128xi32, #tpu.memory_space<vmem>> -> memref<1x128xi32, #tpu.memory_space<vmem>>
      %dma_start3A_334 = tpu.memref_squeeze %dma_start3A_333 : memref<1x128xi32, #tpu.memory_space<vmem>> -> memref<128xi32, #tpu.memory_space<vmem>>
      %dma_start3A_335 = arith.constant 0 : i32
      %dma_start3A_336 = arith.constant 0 : i32
      %dma_start3A_337 = tpu.memref_slice %arg3[%dma_start3A_335, %dma_start3A_336] : memref<100000x128xf32, #tpu.memory_space<hbm>> -> memref<100000x128xf32, #tpu.memory_space<hbm>>
      tpu.enqueue_indirect_dma source(%dma_start3A_337 : memref<100000x128xf32, #tpu.memory_space<hbm>>) target(%dma_start3A_331 : memref<128x128xf32, #tpu.memory_space<vmem>>) offsets(%dma_start3A_334 : memref<128xi32, #tpu.memory_space<vmem>>) semaphore(%arg13 : memref<!tpu.dma_semaphore, #tpu.memory_space<semaphore_mem>>)
      %mul3A_338 = arith.constant 7 : i32
      %mul3A_339 = arith.muli %scan3A_177, %mul3A_338 : i32
      %add3A_340 = arith.constant 3 : i32
      %add3A_341 = arith.addi %mul3A_339, %add3A_340 : i32
      %dma_wait3A_342 = arith.constant 3 : i32
      %dma_wait3A_343 = arith.constant 0 : i32
      %dma_wait3A_344 = arith.constant 0 : i32
      %dma_wait3A_345 = tpu.memref_slice %arg6[%dma_wait3A_342, %dma_wait3A_343, %dma_wait3A_344] : memref<7x128x128xf32, #tpu.memory_space<vmem>> -> memref<1x128x128xf32, #tpu.memory_space<vmem>>
      %dma_wait3A_346 = tpu.memref_squeeze %dma_wait3A_345 : memref<1x128x128xf32, #tpu.memory_space<vmem>> -> memref<128x128xf32, #tpu.memory_space<vmem>>
      %dma_wait3A_347 = arith.constant 0 : i32
      %dma_wait3A_348 = tpu.memref_slice %arg5[%add3A_341, %dma_wait3A_347] : memref<50x128xi32, #tpu.memory_space<vmem>> -> memref<1x128xi32, #tpu.memory_space<vmem>>
      %dma_wait3A_349 = tpu.memref_squeeze %dma_wait3A_348 : memref<1x128xi32, #tpu.memory_space<vmem>> -> memref<128xi32, #tpu.memory_space<vmem>>
      %dma_wait3A_350 = arith.constant 0 : i32
      %dma_wait3A_351 = arith.constant 0 : i32
      %dma_wait3A_352 = tpu.memref_slice %arg3[%dma_wait3A_350, %dma_wait3A_351] : memref<100000x128xf32, #tpu.memory_space<hbm>> -> memref<100000x128xf32, #tpu.memory_space<hbm>>
      tpu.wait_indirect_dma semaphore(%arg10 : memref<!tpu.dma_semaphore, #tpu.memory_space<semaphore_mem>>) src(%dma_wait3A_352 : memref<100000x128xf32, #tpu.memory_space<hbm>>) dst(%dma_wait3A_346 : memref<128x128xf32, #tpu.memory_space<vmem>>)
      %dma_start3A_353 = arith.constant 3 : i32
      %dma_start3A_354 = arith.constant 0 : i32
      %dma_start3A_355 = arith.constant 0 : i32
      %dma_start3A_356 = tpu.memref_slice %arg6[%dma_start3A_353, %dma_start3A_354, %dma_start3A_355] : memref<7x128x128xf32, #tpu.memory_space<vmem>> -> memref<1x128x128xf32, #tpu.memory_space<vmem>>
      %dma_start3A_357 = tpu.memref_squeeze %dma_start3A_356 : memref<1x128x128xf32, #tpu.memory_space<vmem>> -> memref<128x128xf32, #tpu.memory_space<vmem>>
      %dma_start3A_358 = arith.constant 0 : i32
      %dma_start3A_359 = arith.constant 0 : i32
      %dma_start3A_360 = tpu.memref_slice %arg4[%add3A_341, %dma_start3A_358, %dma_start3A_359] : memref<50x4096x128xf32, #tpu.memory_space<hbm>> -> memref<1x4096x128xf32, #tpu.memory_space<hbm>>
      %dma_start3A_361 = tpu.memref_squeeze %dma_start3A_360 : memref<1x4096x128xf32, #tpu.memory_space<hbm>> -> memref<4096x128xf32, #tpu.memory_space<hbm>>
      %dma_start3A_362 = arith.constant 0 : i32
      %dma_start3A_363 = tpu.memref_slice %dma_start3A_361[%mul3A_2, %dma_start3A_362] : memref<4096x128xf32, #tpu.memory_space<hbm>> -> memref<128x128xf32, #tpu.memory_space<hbm>>
      %dma_start3A_364 = arith.constant 0 : i32
      %dma_start3A_365 = arith.constant 0 : i32
      %dma_start3A_366 = tpu.memref_slice %arg4[%add3A_341, %dma_start3A_364, %dma_start3A_365] : memref<50x4096x128xf32, #tpu.memory_space<hbm>> -> memref<1x4096x128xf32, #tpu.memory_space<hbm>>
      %dma_start3A_367 = tpu.memref_squeeze %dma_start3A_366 : memref<1x4096x128xf32, #tpu.memory_space<hbm>> -> memref<4096x128xf32, #tpu.memory_space<hbm>>
      %dma_start3A_368 = arith.constant 0 : i32
      %dma_start3A_369 = tpu.memref_slice %dma_start3A_367[%mul3A_2, %dma_start3A_368] : memref<4096x128xf32, #tpu.memory_space<hbm>> -> memref<128x128xf32, #tpu.memory_space<hbm>>
      %dma_start3A_370 = arith.constant 0 : i32
      %dma_start3A_371 = arith.constant 0 : i32
      %dma_start3A_372 = tpu.memref_slice %arg6[%dma_start3A_353, %dma_start3A_370, %dma_start3A_371] : memref<7x128x128xf32, #tpu.memory_space<vmem>> -> memref<1x128x128xf32, #tpu.memory_space<vmem>>
      %dma_start3A_373 = tpu.memref_squeeze %dma_start3A_372 : memref<1x128x128xf32, #tpu.memory_space<vmem>> -> memref<128x128xf32, #tpu.memory_space<vmem>>
      tpu.enqueue_dma source(%dma_start3A_373 : memref<128x128xf32, #tpu.memory_space<vmem>>) target(%dma_start3A_369 : memref<128x128xf32, #tpu.memory_space<hbm>>) target_semaphore(%arg17 : memref<!tpu.dma_semaphore, #tpu.memory_space<semaphore_mem>>)
      %sub3A = arith.constant 3 : i32
      %sub3A_374 = arith.subi %add3A_341, %sub3A : i32
      %dma_wait3A_375 = arith.constant 0 : i32
      %dma_wait3A_376 = arith.constant 0 : i32
      %dma_wait3A_377 = arith.constant 0 : i32
      %dma_wait3A_378 = tpu.memref_slice %arg6[%dma_wait3A_375, %dma_wait3A_376, %dma_wait3A_377] : memref<7x128x128xf32, #tpu.memory_space<vmem>> -> memref<1x128x128xf32, #tpu.memory_space<vmem>>
      %dma_wait3A_379 = tpu.memref_squeeze %dma_wait3A_378 : memref<1x128x128xf32, #tpu.memory_space<vmem>> -> memref<128x128xf32, #tpu.memory_space<vmem>>
      %dma_wait3A_380 = arith.constant 0 : i32
      %dma_wait3A_381 = arith.constant 0 : i32
      %dma_wait3A_382 = tpu.memref_slice %arg4[%sub3A_374, %dma_wait3A_380, %dma_wait3A_381] : memref<50x4096x128xf32, #tpu.memory_space<hbm>> -> memref<1x4096x128xf32, #tpu.memory_space<hbm>>
      %dma_wait3A_383 = tpu.memref_squeeze %dma_wait3A_382 : memref<1x4096x128xf32, #tpu.memory_space<hbm>> -> memref<4096x128xf32, #tpu.memory_space<hbm>>
      %dma_wait3A_384 = arith.constant 0 : i32
      %dma_wait3A_385 = tpu.memref_slice %dma_wait3A_383[%mul3A_2, %dma_wait3A_384] : memref<4096x128xf32, #tpu.memory_space<hbm>> -> memref<128x128xf32, #tpu.memory_space<hbm>>
      %dma_wait3A_386 = arith.constant 0 : i32
      %dma_wait3A_387 = arith.constant 0 : i32
      %dma_wait3A_388 = tpu.memref_slice %arg4[%sub3A_374, %dma_wait3A_386, %dma_wait3A_387] : memref<50x4096x128xf32, #tpu.memory_space<hbm>> -> memref<1x4096x128xf32, #tpu.memory_space<hbm>>
      %dma_wait3A_389 = tpu.memref_squeeze %dma_wait3A_388 : memref<1x4096x128xf32, #tpu.memory_space<hbm>> -> memref<4096x128xf32, #tpu.memory_space<hbm>>
      %dma_wait3A_390 = arith.constant 0 : i32
      %dma_wait3A_391 = tpu.memref_slice %dma_wait3A_389[%mul3A_2, %dma_wait3A_390] : memref<4096x128xf32, #tpu.memory_space<hbm>> -> memref<128x128xf32, #tpu.memory_space<hbm>>
      %dma_wait3A_392 = arith.constant 0 : i32
      %dma_wait3A_393 = arith.constant 0 : i32
      %dma_wait3A_394 = tpu.memref_slice %arg6[%dma_wait3A_375, %dma_wait3A_392, %dma_wait3A_393] : memref<7x128x128xf32, #tpu.memory_space<vmem>> -> memref<1x128x128xf32, #tpu.memory_space<vmem>>
      %dma_wait3A_395 = tpu.memref_squeeze %dma_wait3A_394 : memref<1x128x128xf32, #tpu.memory_space<vmem>> -> memref<128x128xf32, #tpu.memory_space<vmem>>
      tpu.wait_dma2 semaphore(%arg14 : memref<!tpu.dma_semaphore, #tpu.memory_space<semaphore_mem>>) src(%dma_wait3A_395 : memref<128x128xf32, #tpu.memory_space<vmem>>) dst(%dma_wait3A_391 : memref<128x128xf32, #tpu.memory_space<hbm>>)
      %add3A_396 = arith.constant 4 : i32
      %add3A_397 = arith.addi %add3A_341, %add3A_396 : i32
      %dma_start3A_398 = arith.constant 0 : i32
      %dma_start3A_399 = arith.constant 0 : i32
      %dma_start3A_400 = arith.constant 0 : i32
      %dma_start3A_401 = tpu.memref_slice %arg6[%dma_start3A_398, %dma_start3A_399, %dma_start3A_400] : memref<7x128x128xf32, #tpu.memory_space<vmem>> -> memref<1x128x128xf32, #tpu.memory_space<vmem>>
      %dma_start3A_402 = tpu.memref_squeeze %dma_start3A_401 : memref<1x128x128xf32, #tpu.memory_space<vmem>> -> memref<128x128xf32, #tpu.memory_space<vmem>>
      %dma_start3A_403 = arith.constant 0 : i32
      %dma_start3A_404 = tpu.memref_slice %arg5[%add3A_397, %dma_start3A_403] : memref<50x128xi32, #tpu.memory_space<vmem>> -> memref<1x128xi32, #tpu.memory_space<vmem>>
      %dma_start3A_405 = tpu.memref_squeeze %dma_start3A_404 : memref<1x128xi32, #tpu.memory_space<vmem>> -> memref<128xi32, #tpu.memory_space<vmem>>
      %dma_start3A_406 = arith.constant 0 : i32
      %dma_start3A_407 = arith.constant 0 : i32
      %dma_start3A_408 = tpu.memref_slice %arg3[%dma_start3A_406, %dma_start3A_407] : memref<100000x128xf32, #tpu.memory_space<hbm>> -> memref<100000x128xf32, #tpu.memory_space<hbm>>
      tpu.enqueue_indirect_dma source(%dma_start3A_408 : memref<100000x128xf32, #tpu.memory_space<hbm>>) target(%dma_start3A_402 : memref<128x128xf32, #tpu.memory_space<vmem>>) offsets(%dma_start3A_405 : memref<128xi32, #tpu.memory_space<vmem>>) semaphore(%arg7 : memref<!tpu.dma_semaphore, #tpu.memory_space<semaphore_mem>>)
      %mul3A_409 = arith.constant 7 : i32
      %mul3A_410 = arith.muli %scan3A_177, %mul3A_409 : i32
      %add3A_411 = arith.constant 4 : i32
      %add3A_412 = arith.addi %mul3A_410, %add3A_411 : i32
      %dma_wait3A_413 = arith.constant 4 : i32
      %dma_wait3A_414 = arith.constant 0 : i32
      %dma_wait3A_415 = arith.constant 0 : i32
      %dma_wait3A_416 = tpu.memref_slice %arg6[%dma_wait3A_413, %dma_wait3A_414, %dma_wait3A_415] : memref<7x128x128xf32, #tpu.memory_space<vmem>> -> memref<1x128x128xf32, #tpu.memory_space<vmem>>
      %dma_wait3A_417 = tpu.memref_squeeze %dma_wait3A_416 : memref<1x128x128xf32, #tpu.memory_space<vmem>> -> memref<128x128xf32, #tpu.memory_space<vmem>>
      %dma_wait3A_418 = arith.constant 0 : i32
      %dma_wait3A_419 = tpu.memref_slice %arg5[%add3A_412, %dma_wait3A_418] : memref<50x128xi32, #tpu.memory_space<vmem>> -> memref<1x128xi32, #tpu.memory_space<vmem>>
      %dma_wait3A_420 = tpu.memref_squeeze %dma_wait3A_419 : memref<1x128xi32, #tpu.memory_space<vmem>> -> memref<128xi32, #tpu.memory_space<vmem>>
      %dma_wait3A_421 = arith.constant 0 : i32
      %dma_wait3A_422 = arith.constant 0 : i32
      %dma_wait3A_423 = tpu.memref_slice %arg3[%dma_wait3A_421, %dma_wait3A_422] : memref<100000x128xf32, #tpu.memory_space<hbm>> -> memref<100000x128xf32, #tpu.memory_space<hbm>>
      tpu.wait_indirect_dma semaphore(%arg11 : memref<!tpu.dma_semaphore, #tpu.memory_space<semaphore_mem>>) src(%dma_wait3A_423 : memref<100000x128xf32, #tpu.memory_space<hbm>>) dst(%dma_wait3A_417 : memref<128x128xf32, #tpu.memory_space<vmem>>)
      %dma_start3A_424 = arith.constant 4 : i32
      %dma_start3A_425 = arith.constant 0 : i32
      %dma_start3A_426 = arith.constant 0 : i32
      %dma_start3A_427 = tpu.memref_slice %arg6[%dma_start3A_424, %dma_start3A_425, %dma_start3A_426] : memref<7x128x128xf32, #tpu.memory_space<vmem>> -> memref<1x128x128xf32, #tpu.memory_space<vmem>>
      %dma_start3A_428 = tpu.memref_squeeze %dma_start3A_427 : memref<1x128x128xf32, #tpu.memory_space<vmem>> -> memref<128x128xf32, #tpu.memory_space<vmem>>
      %dma_start3A_429 = arith.constant 0 : i32
      %dma_start3A_430 = arith.constant 0 : i32
      %dma_start3A_431 = tpu.memref_slice %arg4[%add3A_412, %dma_start3A_429, %dma_start3A_430] : memref<50x4096x128xf32, #tpu.memory_space<hbm>> -> memref<1x4096x128xf32, #tpu.memory_space<hbm>>
      %dma_start3A_432 = tpu.memref_squeeze %dma_start3A_431 : memref<1x4096x128xf32, #tpu.memory_space<hbm>> -> memref<4096x128xf32, #tpu.memory_space<hbm>>
      %dma_start3A_433 = arith.constant 0 : i32
      %dma_start3A_434 = tpu.memref_slice %dma_start3A_432[%mul3A_2, %dma_start3A_433] : memref<4096x128xf32, #tpu.memory_space<hbm>> -> memref<128x128xf32, #tpu.memory_space<hbm>>
      %dma_start3A_435 = arith.constant 0 : i32
      %dma_start3A_436 = arith.constant 0 : i32
      %dma_start3A_437 = tpu.memref_slice %arg4[%add3A_412, %dma_start3A_435, %dma_start3A_436] : memref<50x4096x128xf32, #tpu.memory_space<hbm>> -> memref<1x4096x128xf32, #tpu.memory_space<hbm>>
      %dma_start3A_438 = tpu.memref_squeeze %dma_start3A_437 : memref<1x4096x128xf32, #tpu.memory_space<hbm>> -> memref<4096x128xf32, #tpu.memory_space<hbm>>
      %dma_start3A_439 = arith.constant 0 : i32
      %dma_start3A_440 = tpu.memref_slice %dma_start3A_438[%mul3A_2, %dma_start3A_439] : memref<4096x128xf32, #tpu.memory_space<hbm>> -> memref<128x128xf32, #tpu.memory_space<hbm>>
      %dma_start3A_441 = arith.constant 0 : i32
      %dma_start3A_442 = arith.constant 0 : i32
      %dma_start3A_443 = tpu.memref_slice %arg6[%dma_start3A_424, %dma_start3A_441, %dma_start3A_442] : memref<7x128x128xf32, #tpu.memory_space<vmem>> -> memref<1x128x128xf32, #tpu.memory_space<vmem>>
      %dma_start3A_444 = tpu.memref_squeeze %dma_start3A_443 : memref<1x128x128xf32, #tpu.memory_space<vmem>> -> memref<128x128xf32, #tpu.memory_space<vmem>>
      tpu.enqueue_dma source(%dma_start3A_444 : memref<128x128xf32, #tpu.memory_space<vmem>>) target(%dma_start3A_440 : memref<128x128xf32, #tpu.memory_space<hbm>>) target_semaphore(%arg18 : memref<!tpu.dma_semaphore, #tpu.memory_space<semaphore_mem>>)
      %sub3A_445 = arith.constant 3 : i32
      %sub3A_446 = arith.subi %add3A_412, %sub3A_445 : i32
      %dma_wait3A_447 = arith.constant 1 : i32
      %dma_wait3A_448 = arith.constant 0 : i32
      %dma_wait3A_449 = arith.constant 0 : i32
      %dma_wait3A_450 = tpu.memref_slice %arg6[%dma_wait3A_447, %dma_wait3A_448, %dma_wait3A_449] : memref<7x128x128xf32, #tpu.memory_space<vmem>> -> memref<1x128x128xf32, #tpu.memory_space<vmem>>
      %dma_wait3A_451 = tpu.memref_squeeze %dma_wait3A_450 : memref<1x128x128xf32, #tpu.memory_space<vmem>> -> memref<128x128xf32, #tpu.memory_space<vmem>>
      %dma_wait3A_452 = arith.constant 0 : i32
      %dma_wait3A_453 = arith.constant 0 : i32
      %dma_wait3A_454 = tpu.memref_slice %arg4[%sub3A_446, %dma_wait3A_452, %dma_wait3A_453] : memref<50x4096x128xf32, #tpu.memory_space<hbm>> -> memref<1x4096x128xf32, #tpu.memory_space<hbm>>
      %dma_wait3A_455 = tpu.memref_squeeze %dma_wait3A_454 : memref<1x4096x128xf32, #tpu.memory_space<hbm>> -> memref<4096x128xf32, #tpu.memory_space<hbm>>
      %dma_wait3A_456 = arith.constant 0 : i32
      %dma_wait3A_457 = tpu.memref_slice %dma_wait3A_455[%mul3A_2, %dma_wait3A_456] : memref<4096x128xf32, #tpu.memory_space<hbm>> -> memref<128x128xf32, #tpu.memory_space<hbm>>
      %dma_wait3A_458 = arith.constant 0 : i32
      %dma_wait3A_459 = arith.constant 0 : i32
      %dma_wait3A_460 = tpu.memref_slice %arg4[%sub3A_446, %dma_wait3A_458, %dma_wait3A_459] : memref<50x4096x128xf32, #tpu.memory_space<hbm>> -> memref<1x4096x128xf32, #tpu.memory_space<hbm>>
      %dma_wait3A_461 = tpu.memref_squeeze %dma_wait3A_460 : memref<1x4096x128xf32, #tpu.memory_space<hbm>> -> memref<4096x128xf32, #tpu.memory_space<hbm>>
      %dma_wait3A_462 = arith.constant 0 : i32
      %dma_wait3A_463 = tpu.memref_slice %dma_wait3A_461[%mul3A_2, %dma_wait3A_462] : memref<4096x128xf32, #tpu.memory_space<hbm>> -> memref<128x128xf32, #tpu.memory_space<hbm>>
      %dma_wait3A_464 = arith.constant 0 : i32
      %dma_wait3A_465 = arith.constant 0 : i32
      %dma_wait3A_466 = tpu.memref_slice %arg6[%dma_wait3A_447, %dma_wait3A_464, %dma_wait3A_465] : memref<7x128x128xf32, #tpu.memory_space<vmem>> -> memref<1x128x128xf32, #tpu.memory_space<vmem>>
      %dma_wait3A_467 = tpu.memref_squeeze %dma_wait3A_466 : memref<1x128x128xf32, #tpu.memory_space<vmem>> -> memref<128x128xf32, #tpu.memory_space<vmem>>
      tpu.wait_dma2 semaphore(%arg15 : memref<!tpu.dma_semaphore, #tpu.memory_space<semaphore_mem>>) src(%dma_wait3A_467 : memref<128x128xf32, #tpu.memory_space<vmem>>) dst(%dma_wait3A_463 : memref<128x128xf32, #tpu.memory_space<hbm>>)
      %lt3A = arith.constant 6 : i32
      %lt3A_468 = arith.cmpi slt, %scan3A_177, %lt3A : i32
      %convert_element_type3A_469 = arith.extui %lt3A_468 : i1 to i32
      %cond3A_470 = arith.constant 0 : i32
      %cond3A_471 = arith.cmpi ne, %convert_element_type3A_469, %cond3A_470 : i32
      scf.if %cond3A_471 {
        %add3A_601 = arith.constant 4 : i32
        %add3A_602 = arith.addi %add3A_412, %add3A_601 : i32
        %dma_start3A_603 = arith.constant 1 : i32
        %dma_start3A_604 = arith.constant 0 : i32
        %dma_start3A_605 = arith.constant 0 : i32
        %dma_start3A_606 = tpu.memref_slice %arg6[%dma_start3A_603, %dma_start3A_604, %dma_start3A_605] : memref<7x128x128xf32, #tpu.memory_space<vmem>> -> memref<1x128x128xf32, #tpu.memory_space<vmem>>
        %dma_start3A_607 = tpu.memref_squeeze %dma_start3A_606 : memref<1x128x128xf32, #tpu.memory_space<vmem>> -> memref<128x128xf32, #tpu.memory_space<vmem>>
        %dma_start3A_608 = arith.constant 0 : i32
        %dma_start3A_609 = tpu.memref_slice %arg5[%add3A_602, %dma_start3A_608] : memref<50x128xi32, #tpu.memory_space<vmem>> -> memref<1x128xi32, #tpu.memory_space<vmem>>
        %dma_start3A_610 = tpu.memref_squeeze %dma_start3A_609 : memref<1x128xi32, #tpu.memory_space<vmem>> -> memref<128xi32, #tpu.memory_space<vmem>>
        %dma_start3A_611 = arith.constant 0 : i32
        %dma_start3A_612 = arith.constant 0 : i32
        %dma_start3A_613 = tpu.memref_slice %arg3[%dma_start3A_611, %dma_start3A_612] : memref<100000x128xf32, #tpu.memory_space<hbm>> -> memref<100000x128xf32, #tpu.memory_space<hbm>>
        tpu.enqueue_indirect_dma source(%dma_start3A_613 : memref<100000x128xf32, #tpu.memory_space<hbm>>) target(%dma_start3A_607 : memref<128x128xf32, #tpu.memory_space<vmem>>) offsets(%dma_start3A_610 : memref<128xi32, #tpu.memory_space<vmem>>) semaphore(%arg8 : memref<!tpu.dma_semaphore, #tpu.memory_space<semaphore_mem>>)
      } else {
      }
      %mul3A_472 = arith.constant 7 : i32
      %mul3A_473 = arith.muli %scan3A_177, %mul3A_472 : i32
      %add3A_474 = arith.constant 5 : i32
      %add3A_475 = arith.addi %mul3A_473, %add3A_474 : i32
      %dma_wait3A_476 = arith.constant 5 : i32
      %dma_wait3A_477 = arith.constant 0 : i32
      %dma_wait3A_478 = arith.constant 0 : i32
      %dma_wait3A_479 = tpu.memref_slice %arg6[%dma_wait3A_476, %dma_wait3A_477, %dma_wait3A_478] : memref<7x128x128xf32, #tpu.memory_space<vmem>> -> memref<1x128x128xf32, #tpu.memory_space<vmem>>
      %dma_wait3A_480 = tpu.memref_squeeze %dma_wait3A_479 : memref<1x128x128xf32, #tpu.memory_space<vmem>> -> memref<128x128xf32, #tpu.memory_space<vmem>>
      %dma_wait3A_481 = arith.constant 0 : i32
      %dma_wait3A_482 = tpu.memref_slice %arg5[%add3A_475, %dma_wait3A_481] : memref<50x128xi32, #tpu.memory_space<vmem>> -> memref<1x128xi32, #tpu.memory_space<vmem>>
      %dma_wait3A_483 = tpu.memref_squeeze %dma_wait3A_482 : memref<1x128xi32, #tpu.memory_space<vmem>> -> memref<128xi32, #tpu.memory_space<vmem>>
      %dma_wait3A_484 = arith.constant 0 : i32
      %dma_wait3A_485 = arith.constant 0 : i32
      %dma_wait3A_486 = tpu.memref_slice %arg3[%dma_wait3A_484, %dma_wait3A_485] : memref<100000x128xf32, #tpu.memory_space<hbm>> -> memref<100000x128xf32, #tpu.memory_space<hbm>>
      tpu.wait_indirect_dma semaphore(%arg12 : memref<!tpu.dma_semaphore, #tpu.memory_space<semaphore_mem>>) src(%dma_wait3A_486 : memref<100000x128xf32, #tpu.memory_space<hbm>>) dst(%dma_wait3A_480 : memref<128x128xf32, #tpu.memory_space<vmem>>)
      %dma_start3A_487 = arith.constant 5 : i32
      %dma_start3A_488 = arith.constant 0 : i32
      %dma_start3A_489 = arith.constant 0 : i32
      %dma_start3A_490 = tpu.memref_slice %arg6[%dma_start3A_487, %dma_start3A_488, %dma_start3A_489] : memref<7x128x128xf32, #tpu.memory_space<vmem>> -> memref<1x128x128xf32, #tpu.memory_space<vmem>>
      %dma_start3A_491 = tpu.memref_squeeze %dma_start3A_490 : memref<1x128x128xf32, #tpu.memory_space<vmem>> -> memref<128x128xf32, #tpu.memory_space<vmem>>
      %dma_start3A_492 = arith.constant 0 : i32
      %dma_start3A_493 = arith.constant 0 : i32
      %dma_start3A_494 = tpu.memref_slice %arg4[%add3A_475, %dma_start3A_492, %dma_start3A_493] : memref<50x4096x128xf32, #tpu.memory_space<hbm>> -> memref<1x4096x128xf32, #tpu.memory_space<hbm>>
      %dma_start3A_495 = tpu.memref_squeeze %dma_start3A_494 : memref<1x4096x128xf32, #tpu.memory_space<hbm>> -> memref<4096x128xf32, #tpu.memory_space<hbm>>
      %dma_start3A_496 = arith.constant 0 : i32
      %dma_start3A_497 = tpu.memref_slice %dma_start3A_495[%mul3A_2, %dma_start3A_496] : memref<4096x128xf32, #tpu.memory_space<hbm>> -> memref<128x128xf32, #tpu.memory_space<hbm>>
      %dma_start3A_498 = arith.constant 0 : i32
      %dma_start3A_499 = arith.constant 0 : i32
      %dma_start3A_500 = tpu.memref_slice %arg4[%add3A_475, %dma_start3A_498, %dma_start3A_499] : memref<50x4096x128xf32, #tpu.memory_space<hbm>> -> memref<1x4096x128xf32, #tpu.memory_space<hbm>>
      %dma_start3A_501 = tpu.memref_squeeze %dma_start3A_500 : memref<1x4096x128xf32, #tpu.memory_space<hbm>> -> memref<4096x128xf32, #tpu.memory_space<hbm>>
      %dma_start3A_502 = arith.constant 0 : i32
      %dma_start3A_503 = tpu.memref_slice %dma_start3A_501[%mul3A_2, %dma_start3A_502] : memref<4096x128xf32, #tpu.memory_space<hbm>> -> memref<128x128xf32, #tpu.memory_space<hbm>>
      %dma_start3A_504 = arith.constant 0 : i32
      %dma_start3A_505 = arith.constant 0 : i32
      %dma_start3A_506 = tpu.memref_slice %arg6[%dma_start3A_487, %dma_start3A_504, %dma_start3A_505] : memref<7x128x128xf32, #tpu.memory_space<vmem>> -> memref<1x128x128xf32, #tpu.memory_space<vmem>>
      %dma_start3A_507 = tpu.memref_squeeze %dma_start3A_506 : memref<1x128x128xf32, #tpu.memory_space<vmem>> -> memref<128x128xf32, #tpu.memory_space<vmem>>
      tpu.enqueue_dma source(%dma_start3A_507 : memref<128x128xf32, #tpu.memory_space<vmem>>) target(%dma_start3A_503 : memref<128x128xf32, #tpu.memory_space<hbm>>) target_semaphore(%arg19 : memref<!tpu.dma_semaphore, #tpu.memory_space<semaphore_mem>>)
      %sub3A_508 = arith.constant 3 : i32
      %sub3A_509 = arith.subi %add3A_475, %sub3A_508 : i32
      %dma_wait3A_510 = arith.constant 2 : i32
      %dma_wait3A_511 = arith.constant 0 : i32
      %dma_wait3A_512 = arith.constant 0 : i32
      %dma_wait3A_513 = tpu.memref_slice %arg6[%dma_wait3A_510, %dma_wait3A_511, %dma_wait3A_512] : memref<7x128x128xf32, #tpu.memory_space<vmem>> -> memref<1x128x128xf32, #tpu.memory_space<vmem>>
      %dma_wait3A_514 = tpu.memref_squeeze %dma_wait3A_513 : memref<1x128x128xf32, #tpu.memory_space<vmem>> -> memref<128x128xf32, #tpu.memory_space<vmem>>
      %dma_wait3A_515 = arith.constant 0 : i32
      %dma_wait3A_516 = arith.constant 0 : i32
      %dma_wait3A_517 = tpu.memref_slice %arg4[%sub3A_509, %dma_wait3A_515, %dma_wait3A_516] : memref<50x4096x128xf32, #tpu.memory_space<hbm>> -> memref<1x4096x128xf32, #tpu.memory_space<hbm>>
      %dma_wait3A_518 = tpu.memref_squeeze %dma_wait3A_517 : memref<1x4096x128xf32, #tpu.memory_space<hbm>> -> memref<4096x128xf32, #tpu.memory_space<hbm>>
      %dma_wait3A_519 = arith.constant 0 : i32
      %dma_wait3A_520 = tpu.memref_slice %dma_wait3A_518[%mul3A_2, %dma_wait3A_519] : memref<4096x128xf32, #tpu.memory_space<hbm>> -> memref<128x128xf32, #tpu.memory_space<hbm>>
      %dma_wait3A_521 = arith.constant 0 : i32
      %dma_wait3A_522 = arith.constant 0 : i32
      %dma_wait3A_523 = tpu.memref_slice %arg4[%sub3A_509, %dma_wait3A_521, %dma_wait3A_522] : memref<50x4096x128xf32, #tpu.memory_space<hbm>> -> memref<1x4096x128xf32, #tpu.memory_space<hbm>>
      %dma_wait3A_524 = tpu.memref_squeeze %dma_wait3A_523 : memref<1x4096x128xf32, #tpu.memory_space<hbm>> -> memref<4096x128xf32, #tpu.memory_space<hbm>>
      %dma_wait3A_525 = arith.constant 0 : i32
      %dma_wait3A_526 = tpu.memref_slice %dma_wait3A_524[%mul3A_2, %dma_wait3A_525] : memref<4096x128xf32, #tpu.memory_space<hbm>> -> memref<128x128xf32, #tpu.memory_space<hbm>>
      %dma_wait3A_527 = arith.constant 0 : i32
      %dma_wait3A_528 = arith.constant 0 : i32
      %dma_wait3A_529 = tpu.memref_slice %arg6[%dma_wait3A_510, %dma_wait3A_527, %dma_wait3A_528] : memref<7x128x128xf32, #tpu.memory_space<vmem>> -> memref<1x128x128xf32, #tpu.memory_space<vmem>>
      %dma_wait3A_530 = tpu.memref_squeeze %dma_wait3A_529 : memref<1x128x128xf32, #tpu.memory_space<vmem>> -> memref<128x128xf32, #tpu.memory_space<vmem>>
      tpu.wait_dma2 semaphore(%arg16 : memref<!tpu.dma_semaphore, #tpu.memory_space<semaphore_mem>>) src(%dma_wait3A_530 : memref<128x128xf32, #tpu.memory_space<vmem>>) dst(%dma_wait3A_526 : memref<128x128xf32, #tpu.memory_space<hbm>>)
      %lt3A_531 = arith.constant 6 : i32
      %lt3A_532 = arith.cmpi slt, %scan3A_177, %lt3A_531 : i32
      %convert_element_type3A_533 = arith.extui %lt3A_532 : i1 to i32
      %cond3A_534 = arith.constant 0 : i32
      %cond3A_535 = arith.cmpi ne, %convert_element_type3A_533, %cond3A_534 : i32
      scf.if %cond3A_535 {
        %add3A_601 = arith.constant 4 : i32
        %add3A_602 = arith.addi %add3A_475, %add3A_601 : i32
        %dma_start3A_603 = arith.constant 2 : i32
        %dma_start3A_604 = arith.constant 0 : i32
        %dma_start3A_605 = arith.constant 0 : i32
        %dma_start3A_606 = tpu.memref_slice %arg6[%dma_start3A_603, %dma_start3A_604, %dma_start3A_605] : memref<7x128x128xf32, #tpu.memory_space<vmem>> -> memref<1x128x128xf32, #tpu.memory_space<vmem>>
        %dma_start3A_607 = tpu.memref_squeeze %dma_start3A_606 : memref<1x128x128xf32, #tpu.memory_space<vmem>> -> memref<128x128xf32, #tpu.memory_space<vmem>>
        %dma_start3A_608 = arith.constant 0 : i32
        %dma_start3A_609 = tpu.memref_slice %arg5[%add3A_602, %dma_start3A_608] : memref<50x128xi32, #tpu.memory_space<vmem>> -> memref<1x128xi32, #tpu.memory_space<vmem>>
        %dma_start3A_610 = tpu.memref_squeeze %dma_start3A_609 : memref<1x128xi32, #tpu.memory_space<vmem>> -> memref<128xi32, #tpu.memory_space<vmem>>
        %dma_start3A_611 = arith.constant 0 : i32
        %dma_start3A_612 = arith.constant 0 : i32
        %dma_start3A_613 = tpu.memref_slice %arg3[%dma_start3A_611, %dma_start3A_612] : memref<100000x128xf32, #tpu.memory_space<hbm>> -> memref<100000x128xf32, #tpu.memory_space<hbm>>
        tpu.enqueue_indirect_dma source(%dma_start3A_613 : memref<100000x128xf32, #tpu.memory_space<hbm>>) target(%dma_start3A_607 : memref<128x128xf32, #tpu.memory_space<vmem>>) offsets(%dma_start3A_610 : memref<128xi32, #tpu.memory_space<vmem>>) semaphore(%arg9 : memref<!tpu.dma_semaphore, #tpu.memory_space<semaphore_mem>>)
      } else {
      }
      %mul3A_536 = arith.constant 7 : i32
      %mul3A_537 = arith.muli %scan3A_177, %mul3A_536 : i32
      %add3A_538 = arith.constant 6 : i32
      %add3A_539 = arith.addi %mul3A_537, %add3A_538 : i32
      %dma_wait3A_540 = arith.constant 6 : i32
      %dma_wait3A_541 = arith.constant 0 : i32
      %dma_wait3A_542 = arith.constant 0 : i32
      %dma_wait3A_543 = tpu.memref_slice %arg6[%dma_wait3A_540, %dma_wait3A_541, %dma_wait3A_542] : memref<7x128x128xf32, #tpu.memory_space<vmem>> -> memref<1x128x128xf32, #tpu.memory_space<vmem>>
      %dma_wait3A_544 = tpu.memref_squeeze %dma_wait3A_543 : memref<1x128x128xf32, #tpu.memory_space<vmem>> -> memref<128x128xf32, #tpu.memory_space<vmem>>
      %dma_wait3A_545 = arith.constant 0 : i32
      %dma_wait3A_546 = tpu.memref_slice %arg5[%add3A_539, %dma_wait3A_545] : memref<50x128xi32, #tpu.memory_space<vmem>> -> memref<1x128xi32, #tpu.memory_space<vmem>>
      %dma_wait3A_547 = tpu.memref_squeeze %dma_wait3A_546 : memref<1x128xi32, #tpu.memory_space<vmem>> -> memref<128xi32, #tpu.memory_space<vmem>>
      %dma_wait3A_548 = arith.constant 0 : i32
      %dma_wait3A_549 = arith.constant 0 : i32
      %dma_wait3A_550 = tpu.memref_slice %arg3[%dma_wait3A_548, %dma_wait3A_549] : memref<100000x128xf32, #tpu.memory_space<hbm>> -> memref<100000x128xf32, #tpu.memory_space<hbm>>
      tpu.wait_indirect_dma semaphore(%arg13 : memref<!tpu.dma_semaphore, #tpu.memory_space<semaphore_mem>>) src(%dma_wait3A_550 : memref<100000x128xf32, #tpu.memory_space<hbm>>) dst(%dma_wait3A_544 : memref<128x128xf32, #tpu.memory_space<vmem>>)
      %dma_start3A_551 = arith.constant 6 : i32
      %dma_start3A_552 = arith.constant 0 : i32
      %dma_start3A_553 = arith.constant 0 : i32
      %dma_start3A_554 = tpu.memref_slice %arg6[%dma_start3A_551, %dma_start3A_552, %dma_start3A_553] : memref<7x128x128xf32, #tpu.memory_space<vmem>> -> memref<1x128x128xf32, #tpu.memory_space<vmem>>
      %dma_start3A_555 = tpu.memref_squeeze %dma_start3A_554 : memref<1x128x128xf32, #tpu.memory_space<vmem>> -> memref<128x128xf32, #tpu.memory_space<vmem>>
      %dma_start3A_556 = arith.constant 0 : i32
      %dma_start3A_557 = arith.constant 0 : i32
      %dma_start3A_558 = tpu.memref_slice %arg4[%add3A_539, %dma_start3A_556, %dma_start3A_557] : memref<50x4096x128xf32, #tpu.memory_space<hbm>> -> memref<1x4096x128xf32, #tpu.memory_space<hbm>>
      %dma_start3A_559 = tpu.memref_squeeze %dma_start3A_558 : memref<1x4096x128xf32, #tpu.memory_space<hbm>> -> memref<4096x128xf32, #tpu.memory_space<hbm>>
      %dma_start3A_560 = arith.constant 0 : i32
      %dma_start3A_561 = tpu.memref_slice %dma_start3A_559[%mul3A_2, %dma_start3A_560] : memref<4096x128xf32, #tpu.memory_space<hbm>> -> memref<128x128xf32, #tpu.memory_space<hbm>>
      %dma_start3A_562 = arith.constant 0 : i32
      %dma_start3A_563 = arith.constant 0 : i32
      %dma_start3A_564 = tpu.memref_slice %arg4[%add3A_539, %dma_start3A_562, %dma_start3A_563] : memref<50x4096x128xf32, #tpu.memory_space<hbm>> -> memref<1x4096x128xf32, #tpu.memory_space<hbm>>
      %dma_start3A_565 = tpu.memref_squeeze %dma_start3A_564 : memref<1x4096x128xf32, #tpu.memory_space<hbm>> -> memref<4096x128xf32, #tpu.memory_space<hbm>>
      %dma_start3A_566 = arith.constant 0 : i32
      %dma_start3A_567 = tpu.memref_slice %dma_start3A_565[%mul3A_2, %dma_start3A_566] : memref<4096x128xf32, #tpu.memory_space<hbm>> -> memref<128x128xf32, #tpu.memory_space<hbm>>
      %dma_start3A_568 = arith.constant 0 : i32
      %dma_start3A_569 = arith.constant 0 : i32
      %dma_start3A_570 = tpu.memref_slice %arg6[%dma_start3A_551, %dma_start3A_568, %dma_start3A_569] : memref<7x128x128xf32, #tpu.memory_space<vmem>> -> memref<1x128x128xf32, #tpu.memory_space<vmem>>
      %dma_start3A_571 = tpu.memref_squeeze %dma_start3A_570 : memref<1x128x128xf32, #tpu.memory_space<vmem>> -> memref<128x128xf32, #tpu.memory_space<vmem>>
      tpu.enqueue_dma source(%dma_start3A_571 : memref<128x128xf32, #tpu.memory_space<vmem>>) target(%dma_start3A_567 : memref<128x128xf32, #tpu.memory_space<hbm>>) target_semaphore(%arg20 : memref<!tpu.dma_semaphore, #tpu.memory_space<semaphore_mem>>)
      %sub3A_572 = arith.constant 3 : i32
      %sub3A_573 = arith.subi %add3A_539, %sub3A_572 : i32
      %dma_wait3A_574 = arith.constant 3 : i32
      %dma_wait3A_575 = arith.constant 0 : i32
      %dma_wait3A_576 = arith.constant 0 : i32
      %dma_wait3A_577 = tpu.memref_slice %arg6[%dma_wait3A_574, %dma_wait3A_575, %dma_wait3A_576] : memref<7x128x128xf32, #tpu.memory_space<vmem>> -> memref<1x128x128xf32, #tpu.memory_space<vmem>>
      %dma_wait3A_578 = tpu.memref_squeeze %dma_wait3A_577 : memref<1x128x128xf32, #tpu.memory_space<vmem>> -> memref<128x128xf32, #tpu.memory_space<vmem>>
      %dma_wait3A_579 = arith.constant 0 : i32
      %dma_wait3A_580 = arith.constant 0 : i32
      %dma_wait3A_581 = tpu.memref_slice %arg4[%sub3A_573, %dma_wait3A_579, %dma_wait3A_580] : memref<50x4096x128xf32, #tpu.memory_space<hbm>> -> memref<1x4096x128xf32, #tpu.memory_space<hbm>>
      %dma_wait3A_582 = tpu.memref_squeeze %dma_wait3A_581 : memref<1x4096x128xf32, #tpu.memory_space<hbm>> -> memref<4096x128xf32, #tpu.memory_space<hbm>>
      %dma_wait3A_583 = arith.constant 0 : i32
      %dma_wait3A_584 = tpu.memref_slice %dma_wait3A_582[%mul3A_2, %dma_wait3A_583] : memref<4096x128xf32, #tpu.memory_space<hbm>> -> memref<128x128xf32, #tpu.memory_space<hbm>>
      %dma_wait3A_585 = arith.constant 0 : i32
      %dma_wait3A_586 = arith.constant 0 : i32
      %dma_wait3A_587 = tpu.memref_slice %arg4[%sub3A_573, %dma_wait3A_585, %dma_wait3A_586] : memref<50x4096x128xf32, #tpu.memory_space<hbm>> -> memref<1x4096x128xf32, #tpu.memory_space<hbm>>
      %dma_wait3A_588 = tpu.memref_squeeze %dma_wait3A_587 : memref<1x4096x128xf32, #tpu.memory_space<hbm>> -> memref<4096x128xf32, #tpu.memory_space<hbm>>
      %dma_wait3A_589 = arith.constant 0 : i32
      %dma_wait3A_590 = tpu.memref_slice %dma_wait3A_588[%mul3A_2, %dma_wait3A_589] : memref<4096x128xf32, #tpu.memory_space<hbm>> -> memref<128x128xf32, #tpu.memory_space<hbm>>
      %dma_wait3A_591 = arith.constant 0 : i32
      %dma_wait3A_592 = arith.constant 0 : i32
      %dma_wait3A_593 = tpu.memref_slice %arg6[%dma_wait3A_574, %dma_wait3A_591, %dma_wait3A_592] : memref<7x128x128xf32, #tpu.memory_space<vmem>> -> memref<1x128x128xf32, #tpu.memory_space<vmem>>
      %dma_wait3A_594 = tpu.memref_squeeze %dma_wait3A_593 : memref<1x128x128xf32, #tpu.memory_space<vmem>> -> memref<128x128xf32, #tpu.memory_space<vmem>>
      tpu.wait_dma2 semaphore(%arg17 : memref<!tpu.dma_semaphore, #tpu.memory_space<semaphore_mem>>) src(%dma_wait3A_594 : memref<128x128xf32, #tpu.memory_space<vmem>>) dst(%dma_wait3A_590 : memref<128x128xf32, #tpu.memory_space<hbm>>)
      %lt3A_595 = arith.constant 6 : i32
      %lt3A_596 = arith.cmpi slt, %scan3A_177, %lt3A_595 : i32
      %convert_element_type3A_597 = arith.extui %lt3A_596 : i1 to i32
      %cond3A_598 = arith.constant 0 : i32
      %cond3A_599 = arith.cmpi ne, %convert_element_type3A_597, %cond3A_598 : i32
      scf.if %cond3A_599 {
        %add3A_601 = arith.constant 4 : i32
        %add3A_602 = arith.addi %add3A_539, %add3A_601 : i32
        %dma_start3A_603 = arith.constant 3 : i32
        %dma_start3A_604 = arith.constant 0 : i32
        %dma_start3A_605 = arith.constant 0 : i32
        %dma_start3A_606 = tpu.memref_slice %arg6[%dma_start3A_603, %dma_start3A_604, %dma_start3A_605] : memref<7x128x128xf32, #tpu.memory_space<vmem>> -> memref<1x128x128xf32, #tpu.memory_space<vmem>>
        %dma_start3A_607 = tpu.memref_squeeze %dma_start3A_606 : memref<1x128x128xf32, #tpu.memory_space<vmem>> -> memref<128x128xf32, #tpu.memory_space<vmem>>
        %dma_start3A_608 = arith.constant 0 : i32
        %dma_start3A_609 = tpu.memref_slice %arg5[%add3A_602, %dma_start3A_608] : memref<50x128xi32, #tpu.memory_space<vmem>> -> memref<1x128xi32, #tpu.memory_space<vmem>>
        %dma_start3A_610 = tpu.memref_squeeze %dma_start3A_609 : memref<1x128xi32, #tpu.memory_space<vmem>> -> memref<128xi32, #tpu.memory_space<vmem>>
        %dma_start3A_611 = arith.constant 0 : i32
        %dma_start3A_612 = arith.constant 0 : i32
        %dma_start3A_613 = tpu.memref_slice %arg3[%dma_start3A_611, %dma_start3A_612] : memref<100000x128xf32, #tpu.memory_space<hbm>> -> memref<100000x128xf32, #tpu.memory_space<hbm>>
        tpu.enqueue_indirect_dma source(%dma_start3A_613 : memref<100000x128xf32, #tpu.memory_space<hbm>>) target(%dma_start3A_607 : memref<128x128xf32, #tpu.memory_space<vmem>>) offsets(%dma_start3A_610 : memref<128xi32, #tpu.memory_space<vmem>>) semaphore(%arg10 : memref<!tpu.dma_semaphore, #tpu.memory_space<semaphore_mem>>)
      } else {
      }
      %scan3A_600 = arith.constant 0 : i32
      scf.yield %scan3A_600 : i32
    }
    %scan3A_55 = arith.constant 7 : i32
    %dma_wait3A = arith.constant 49 : i32
    %dma_wait3A_56 = arith.constant 0 : i32
    %dma_wait3A_57 = arith.constant 0 : i32
    %dma_wait3A_58 = arith.constant 0 : i32
    %dma_wait3A_59 = tpu.memref_slice %arg6[%dma_wait3A_56, %dma_wait3A_57, %dma_wait3A_58] : memref<7x128x128xf32, #tpu.memory_space<vmem>> -> memref<1x128x128xf32, #tpu.memory_space<vmem>>
    %dma_wait3A_60 = tpu.memref_squeeze %dma_wait3A_59 : memref<1x128x128xf32, #tpu.memory_space<vmem>> -> memref<128x128xf32, #tpu.memory_space<vmem>>
    %dma_wait3A_61 = arith.constant 0 : i32
    %dma_wait3A_62 = tpu.memref_slice %arg5[%dma_wait3A, %dma_wait3A_61] : memref<50x128xi32, #tpu.memory_space<vmem>> -> memref<1x128xi32, #tpu.memory_space<vmem>>
    %dma_wait3A_63 = tpu.memref_squeeze %dma_wait3A_62 : memref<1x128xi32, #tpu.memory_space<vmem>> -> memref<128xi32, #tpu.memory_space<vmem>>
    %dma_wait3A_64 = arith.constant 0 : i32
    %dma_wait3A_65 = arith.constant 0 : i32
    %dma_wait3A_66 = tpu.memref_slice %arg3[%dma_wait3A_64, %dma_wait3A_65] : memref<100000x128xf32, #tpu.memory_space<hbm>> -> memref<100000x128xf32, #tpu.memory_space<hbm>>
    tpu.wait_indirect_dma semaphore(%arg7 : memref<!tpu.dma_semaphore, #tpu.memory_space<semaphore_mem>>) src(%dma_wait3A_66 : memref<100000x128xf32, #tpu.memory_space<hbm>>) dst(%dma_wait3A_60 : memref<128x128xf32, #tpu.memory_space<vmem>>)
    %dma_start3A_67 = arith.constant 0 : i32
    %dma_start3A_68 = arith.constant 49 : i32
    %dma_start3A_69 = arith.constant 0 : i32
    %dma_start3A_70 = arith.constant 0 : i32
    %dma_start3A_71 = tpu.memref_slice %arg6[%dma_start3A_67, %dma_start3A_69, %dma_start3A_70] : memref<7x128x128xf32, #tpu.memory_space<vmem>> -> memref<1x128x128xf32, #tpu.memory_space<vmem>>
    %dma_start3A_72 = tpu.memref_squeeze %dma_start3A_71 : memref<1x128x128xf32, #tpu.memory_space<vmem>> -> memref<128x128xf32, #tpu.memory_space<vmem>>
    %dma_start3A_73 = arith.constant 0 : i32
    %dma_start3A_74 = arith.constant 0 : i32
    %dma_start3A_75 = tpu.memref_slice %arg4[%dma_start3A_68, %dma_start3A_73, %dma_start3A_74] : memref<50x4096x128xf32, #tpu.memory_space<hbm>> -> memref<1x4096x128xf32, #tpu.memory_space<hbm>>
    %dma_start3A_76 = tpu.memref_squeeze %dma_start3A_75 : memref<1x4096x128xf32, #tpu.memory_space<hbm>> -> memref<4096x128xf32, #tpu.memory_space<hbm>>
    %dma_start3A_77 = arith.constant 0 : i32
    %dma_start3A_78 = tpu.memref_slice %dma_start3A_76[%mul3A_2, %dma_start3A_77] : memref<4096x128xf32, #tpu.memory_space<hbm>> -> memref<128x128xf32, #tpu.memory_space<hbm>>
    %dma_start3A_79 = arith.constant 0 : i32
    %dma_start3A_80 = arith.constant 0 : i32
    %dma_start3A_81 = tpu.memref_slice %arg4[%dma_start3A_68, %dma_start3A_79, %dma_start3A_80] : memref<50x4096x128xf32, #tpu.memory_space<hbm>> -> memref<1x4096x128xf32, #tpu.memory_space<hbm>>
    %dma_start3A_82 = tpu.memref_squeeze %dma_start3A_81 : memref<1x4096x128xf32, #tpu.memory_space<hbm>> -> memref<4096x128xf32, #tpu.memory_space<hbm>>
    %dma_start3A_83 = arith.constant 0 : i32
    %dma_start3A_84 = tpu.memref_slice %dma_start3A_82[%mul3A_2, %dma_start3A_83] : memref<4096x128xf32, #tpu.memory_space<hbm>> -> memref<128x128xf32, #tpu.memory_space<hbm>>
    %dma_start3A_85 = arith.constant 0 : i32
    %dma_start3A_86 = arith.constant 0 : i32
    %dma_start3A_87 = tpu.memref_slice %arg6[%dma_start3A_67, %dma_start3A_85, %dma_start3A_86] : memref<7x128x128xf32, #tpu.memory_space<vmem>> -> memref<1x128x128xf32, #tpu.memory_space<vmem>>
    %dma_start3A_88 = tpu.memref_squeeze %dma_start3A_87 : memref<1x128x128xf32, #tpu.memory_space<vmem>> -> memref<128x128xf32, #tpu.memory_space<vmem>>
    tpu.enqueue_dma source(%dma_start3A_88 : memref<128x128xf32, #tpu.memory_space<vmem>>) target(%dma_start3A_84 : memref<128x128xf32, #tpu.memory_space<hbm>>) target_semaphore(%arg14 : memref<!tpu.dma_semaphore, #tpu.memory_space<semaphore_mem>>)
    %dma_wait3A_89 = arith.constant 4 : i32
    %dma_wait3A_90 = arith.constant 46 : i32
    %dma_wait3A_91 = arith.constant 0 : i32
    %dma_wait3A_92 = arith.constant 0 : i32
    %dma_wait3A_93 = tpu.memref_slice %arg6[%dma_wait3A_89, %dma_wait3A_91, %dma_wait3A_92] : memref<7x128x128xf32, #tpu.memory_space<vmem>> -> memref<1x128x128xf32, #tpu.memory_space<vmem>>
    %dma_wait3A_94 = tpu.memref_squeeze %dma_wait3A_93 : memref<1x128x128xf32, #tpu.memory_space<vmem>> -> memref<128x128xf32, #tpu.memory_space<vmem>>
    %dma_wait3A_95 = arith.constant 0 : i32
    %dma_wait3A_96 = arith.constant 0 : i32
    %dma_wait3A_97 = tpu.memref_slice %arg4[%dma_wait3A_90, %dma_wait3A_95, %dma_wait3A_96] : memref<50x4096x128xf32, #tpu.memory_space<hbm>> -> memref<1x4096x128xf32, #tpu.memory_space<hbm>>
    %dma_wait3A_98 = tpu.memref_squeeze %dma_wait3A_97 : memref<1x4096x128xf32, #tpu.memory_space<hbm>> -> memref<4096x128xf32, #tpu.memory_space<hbm>>
    %dma_wait3A_99 = arith.constant 0 : i32
    %dma_wait3A_100 = tpu.memref_slice %dma_wait3A_98[%mul3A_2, %dma_wait3A_99] : memref<4096x128xf32, #tpu.memory_space<hbm>> -> memref<128x128xf32, #tpu.memory_space<hbm>>
    %dma_wait3A_101 = arith.constant 0 : i32
    %dma_wait3A_102 = arith.constant 0 : i32
    %dma_wait3A_103 = tpu.memref_slice %arg4[%dma_wait3A_90, %dma_wait3A_101, %dma_wait3A_102] : memref<50x4096x128xf32, #tpu.memory_space<hbm>> -> memref<1x4096x128xf32, #tpu.memory_space<hbm>>
    %dma_wait3A_104 = tpu.memref_squeeze %dma_wait3A_103 : memref<1x4096x128xf32, #tpu.memory_space<hbm>> -> memref<4096x128xf32, #tpu.memory_space<hbm>>
    %dma_wait3A_105 = arith.constant 0 : i32
    %dma_wait3A_106 = tpu.memref_slice %dma_wait3A_104[%mul3A_2, %dma_wait3A_105] : memref<4096x128xf32, #tpu.memory_space<hbm>> -> memref<128x128xf32, #tpu.memory_space<hbm>>
    %dma_wait3A_107 = arith.constant 0 : i32
    %dma_wait3A_108 = arith.constant 0 : i32
    %dma_wait3A_109 = tpu.memref_slice %arg6[%dma_wait3A_89, %dma_wait3A_107, %dma_wait3A_108] : memref<7x128x128xf32, #tpu.memory_space<vmem>> -> memref<1x128x128xf32, #tpu.memory_space<vmem>>
    %dma_wait3A_110 = tpu.memref_squeeze %dma_wait3A_109 : memref<1x128x128xf32, #tpu.memory_space<vmem>> -> memref<128x128xf32, #tpu.memory_space<vmem>>
    tpu.wait_dma2 semaphore(%arg18 : memref<!tpu.dma_semaphore, #tpu.memory_space<semaphore_mem>>) src(%dma_wait3A_110 : memref<128x128xf32, #tpu.memory_space<vmem>>) dst(%dma_wait3A_106 : memref<128x128xf32, #tpu.memory_space<hbm>>)
    %dma_wait3A_111 = arith.constant 5 : i32
    %dma_wait3A_112 = arith.constant 47 : i32
    %dma_wait3A_113 = arith.constant 0 : i32
    %dma_wait3A_114 = arith.constant 0 : i32
    %dma_wait3A_115 = tpu.memref_slice %arg6[%dma_wait3A_111, %dma_wait3A_113, %dma_wait3A_114] : memref<7x128x128xf32, #tpu.memory_space<vmem>> -> memref<1x128x128xf32, #tpu.memory_space<vmem>>
    %dma_wait3A_116 = tpu.memref_squeeze %dma_wait3A_115 : memref<1x128x128xf32, #tpu.memory_space<vmem>> -> memref<128x128xf32, #tpu.memory_space<vmem>>
    %dma_wait3A_117 = arith.constant 0 : i32
    %dma_wait3A_118 = arith.constant 0 : i32
    %dma_wait3A_119 = tpu.memref_slice %arg4[%dma_wait3A_112, %dma_wait3A_117, %dma_wait3A_118] : memref<50x4096x128xf32, #tpu.memory_space<hbm>> -> memref<1x4096x128xf32, #tpu.memory_space<hbm>>
    %dma_wait3A_120 = tpu.memref_squeeze %dma_wait3A_119 : memref<1x4096x128xf32, #tpu.memory_space<hbm>> -> memref<4096x128xf32, #tpu.memory_space<hbm>>
    %dma_wait3A_121 = arith.constant 0 : i32
    %dma_wait3A_122 = tpu.memref_slice %dma_wait3A_120[%mul3A_2, %dma_wait3A_121] : memref<4096x128xf32, #tpu.memory_space<hbm>> -> memref<128x128xf32, #tpu.memory_space<hbm>>
    %dma_wait3A_123 = arith.constant 0 : i32
    %dma_wait3A_124 = arith.constant 0 : i32
    %dma_wait3A_125 = tpu.memref_slice %arg4[%dma_wait3A_112, %dma_wait3A_123, %dma_wait3A_124] : memref<50x4096x128xf32, #tpu.memory_space<hbm>> -> memref<1x4096x128xf32, #tpu.memory_space<hbm>>
    %dma_wait3A_126 = tpu.memref_squeeze %dma_wait3A_125 : memref<1x4096x128xf32, #tpu.memory_space<hbm>> -> memref<4096x128xf32, #tpu.memory_space<hbm>>
    %dma_wait3A_127 = arith.constant 0 : i32
    %dma_wait3A_128 = tpu.memref_slice %dma_wait3A_126[%mul3A_2, %dma_wait3A_127] : memref<4096x128xf32, #tpu.memory_space<hbm>> -> memref<128x128xf32, #tpu.memory_space<hbm>>
    %dma_wait3A_129 = arith.constant 0 : i32
    %dma_wait3A_130 = arith.constant 0 : i32
    %dma_wait3A_131 = tpu.memref_slice %arg6[%dma_wait3A_111, %dma_wait3A_129, %dma_wait3A_130] : memref<7x128x128xf32, #tpu.memory_space<vmem>> -> memref<1x128x128xf32, #tpu.memory_space<vmem>>
    %dma_wait3A_132 = tpu.memref_squeeze %dma_wait3A_131 : memref<1x128x128xf32, #tpu.memory_space<vmem>> -> memref<128x128xf32, #tpu.memory_space<vmem>>
    tpu.wait_dma2 semaphore(%arg19 : memref<!tpu.dma_semaphore, #tpu.memory_space<semaphore_mem>>) src(%dma_wait3A_132 : memref<128x128xf32, #tpu.memory_space<vmem>>) dst(%dma_wait3A_128 : memref<128x128xf32, #tpu.memory_space<hbm>>)
    %dma_wait3A_133 = arith.constant 6 : i32
    %dma_wait3A_134 = arith.constant 48 : i32
    %dma_wait3A_135 = arith.constant 0 : i32
    %dma_wait3A_136 = arith.constant 0 : i32
    %dma_wait3A_137 = tpu.memref_slice %arg6[%dma_wait3A_133, %dma_wait3A_135, %dma_wait3A_136] : memref<7x128x128xf32, #tpu.memory_space<vmem>> -> memref<1x128x128xf32, #tpu.memory_space<vmem>>
    %dma_wait3A_138 = tpu.memref_squeeze %dma_wait3A_137 : memref<1x128x128xf32, #tpu.memory_space<vmem>> -> memref<128x128xf32, #tpu.memory_space<vmem>>
    %dma_wait3A_139 = arith.constant 0 : i32
    %dma_wait3A_140 = arith.constant 0 : i32
    %dma_wait3A_141 = tpu.memref_slice %arg4[%dma_wait3A_134, %dma_wait3A_139, %dma_wait3A_140] : memref<50x4096x128xf32, #tpu.memory_space<hbm>> -> memref<1x4096x128xf32, #tpu.memory_space<hbm>>
    %dma_wait3A_142 = tpu.memref_squeeze %dma_wait3A_141 : memref<1x4096x128xf32, #tpu.memory_space<hbm>> -> memref<4096x128xf32, #tpu.memory_space<hbm>>
    %dma_wait3A_143 = arith.constant 0 : i32
    %dma_wait3A_144 = tpu.memref_slice %dma_wait3A_142[%mul3A_2, %dma_wait3A_143] : memref<4096x128xf32, #tpu.memory_space<hbm>> -> memref<128x128xf32, #tpu.memory_space<hbm>>
    %dma_wait3A_145 = arith.constant 0 : i32
    %dma_wait3A_146 = arith.constant 0 : i32
    %dma_wait3A_147 = tpu.memref_slice %arg4[%dma_wait3A_134, %dma_wait3A_145, %dma_wait3A_146] : memref<50x4096x128xf32, #tpu.memory_space<hbm>> -> memref<1x4096x128xf32, #tpu.memory_space<hbm>>
    %dma_wait3A_148 = tpu.memref_squeeze %dma_wait3A_147 : memref<1x4096x128xf32, #tpu.memory_space<hbm>> -> memref<4096x128xf32, #tpu.memory_space<hbm>>
    %dma_wait3A_149 = arith.constant 0 : i32
    %dma_wait3A_150 = tpu.memref_slice %dma_wait3A_148[%mul3A_2, %dma_wait3A_149] : memref<4096x128xf32, #tpu.memory_space<hbm>> -> memref<128x128xf32, #tpu.memory_space<hbm>>
    %dma_wait3A_151 = arith.constant 0 : i32
    %dma_wait3A_152 = arith.constant 0 : i32
    %dma_wait3A_153 = tpu.memref_slice %arg6[%dma_wait3A_133, %dma_wait3A_151, %dma_wait3A_152] : memref<7x128x128xf32, #tpu.memory_space<vmem>> -> memref<1x128x128xf32, #tpu.memory_space<vmem>>
    %dma_wait3A_154 = tpu.memref_squeeze %dma_wait3A_153 : memref<1x128x128xf32, #tpu.memory_space<vmem>> -> memref<128x128xf32, #tpu.memory_space<vmem>>
    tpu.wait_dma2 semaphore(%arg20 : memref<!tpu.dma_semaphore, #tpu.memory_space<semaphore_mem>>) src(%dma_wait3A_154 : memref<128x128xf32, #tpu.memory_space<vmem>>) dst(%dma_wait3A_150 : memref<128x128xf32, #tpu.memory_space<hbm>>)
    %dma_wait3A_155 = arith.constant 0 : i32
    %dma_wait3A_156 = arith.constant 49 : i32
    %dma_wait3A_157 = arith.constant 0 : i32
    %dma_wait3A_158 = arith.constant 0 : i32
    %dma_wait3A_159 = tpu.memref_slice %arg6[%dma_wait3A_155, %dma_wait3A_157, %dma_wait3A_158] : memref<7x128x128xf32, #tpu.memory_space<vmem>> -> memref<1x128x128xf32, #tpu.memory_space<vmem>>
    %dma_wait3A_160 = tpu.memref_squeeze %dma_wait3A_159 : memref<1x128x128xf32, #tpu.memory_space<vmem>> -> memref<128x128xf32, #tpu.memory_space<vmem>>
    %dma_wait3A_161 = arith.constant 0 : i32
    %dma_wait3A_162 = arith.constant 0 : i32
    %dma_wait3A_163 = tpu.memref_slice %arg4[%dma_wait3A_156, %dma_wait3A_161, %dma_wait3A_162] : memref<50x4096x128xf32, #tpu.memory_space<hbm>> -> memref<1x4096x128xf32, #tpu.memory_space<hbm>>
    %dma_wait3A_164 = tpu.memref_squeeze %dma_wait3A_163 : memref<1x4096x128xf32, #tpu.memory_space<hbm>> -> memref<4096x128xf32, #tpu.memory_space<hbm>>
    %dma_wait3A_165 = arith.constant 0 : i32
    %dma_wait3A_166 = tpu.memref_slice %dma_wait3A_164[%mul3A_2, %dma_wait3A_165] : memref<4096x128xf32, #tpu.memory_space<hbm>> -> memref<128x128xf32, #tpu.memory_space<hbm>>
    %dma_wait3A_167 = arith.constant 0 : i32
    %dma_wait3A_168 = arith.constant 0 : i32
    %dma_wait3A_169 = tpu.memref_slice %arg4[%dma_wait3A_156, %dma_wait3A_167, %dma_wait3A_168] : memref<50x4096x128xf32, #tpu.memory_space<hbm>> -> memref<1x4096x128xf32, #tpu.memory_space<hbm>>
    %dma_wait3A_170 = tpu.memref_squeeze %dma_wait3A_169 : memref<1x4096x128xf32, #tpu.memory_space<hbm>> -> memref<4096x128xf32, #tpu.memory_space<hbm>>
    %dma_wait3A_171 = arith.constant 0 : i32
    %dma_wait3A_172 = tpu.memref_slice %dma_wait3A_170[%mul3A_2, %dma_wait3A_171] : memref<4096x128xf32, #tpu.memory_space<hbm>> -> memref<128x128xf32, #tpu.memory_space<hbm>>
    %dma_wait3A_173 = arith.constant 0 : i32
    %dma_wait3A_174 = arith.constant 0 : i32
    %dma_wait3A_175 = tpu.memref_slice %arg6[%dma_wait3A_155, %dma_wait3A_173, %dma_wait3A_174] : memref<7x128x128xf32, #tpu.memory_space<vmem>> -> memref<1x128x128xf32, #tpu.memory_space<vmem>>
    %dma_wait3A_176 = tpu.memref_squeeze %dma_wait3A_175 : memref<1x128x128xf32, #tpu.memory_space<vmem>> -> memref<128x128xf32, #tpu.memory_space<vmem>>
    tpu.wait_dma2 semaphore(%arg14 : memref<!tpu.dma_semaphore, #tpu.memory_space<semaphore_mem>>) src(%dma_wait3A_176 : memref<128x128xf32, #tpu.memory_space<vmem>>) dst(%dma_wait3A_172 : memref<128x128xf32, #tpu.memory_space<hbm>>)
    return
  }
}

</mosaic_0001>

<sc_bundles>
// kernel: _sc_gather.3.cloned.1.call-start
scs
__scs_entry_jumppad:
0x0: {  	(pc) =	sbr.rel $0x88, $3  }
0x1: {  	(tag) =	ssettag $0x0;
	lr =	simm.s32 $0x1  }
0x2: {  	[smem:$0x3F9F] =	sst lr;
	_ =	strace $0xD0000000  }
0x3: {  	_ = 	snop  }
0x4: {  	_ = 	snop  }
0x5: {  	_ = 	snop  }
0x6: {  	_ = 	snop  }
0x7: {  	_ = 	snop  }
__scs_overlays_trampoline_lowered:
0x8: {  	[smem:$0x3FAE] =	sst s0  }
0x9: {  	[smem:$0x3FAF] =	sst s1  }
0xa: {  	[smem:$0x3FB0] =	sst s2  }
0xb: {  	[smem:$0x3FB1] =	sst s3  }
0xc: {  	[smem:$0x3FB2] =	sst s4  }
0xd: {  	[smem:$0x3FB3] =	sst s5  }
0xe: {  	[smem:$0x3FB4] =	sst s6  }
0xf: {  	[smem:$0x3FB5] =	sst s7  }
0x10: {  	[smem:$0x3FB6] =	sst s8  }
0x11: {  	[smem:$0x3FB7] =	sst s9;
	s0 =	simm.s32 @!p0 $0x0  }
0x12: {  	s1 =	sld [smem:$0x3F9D];
	s0 =	simm.s32 @p0 $0x1  }
0x13: {  	[smem:$0x3FB8] =	sst s0;
	s0 =	simm.s32 @!p1 $0x0  }
0x14: {  	s2 =	sld [smem:$0x3F9C];
	s0 =	simm.s32 @p1 $0x1  }
0x15: {  	[smem:$0x3FB9] =	sst s0;
	s0 =	simm.s32 @!p2 $0x0  }
0x16: {  	s3 =	sld [smem:$0x3FDB];
	s0 =	simm.s32 @p2 $0x1  }
0x17: {  	s4 =	simm.s32 $0x1BF5;
	[smem:$0x3FBB] =	sst s0  }
0x18: {  	s0 =	sld [smem:$0x3F9E];
	_ =	swait.ge [sflag:s4], $0x0  }
0x19: {  	s7 =	sld [smem:$0x3F9F]  }
0x1a: {  	s8 =	sadd.s32 $0xFFFFE003, lr  }
0x1b: {  	s9 =	sadd.s32 $0xFFFFFEF7, lr;
	s5 =	simm.s32 $0xFFFFFFFF;
	p2 =	slt.u32 s8, $0xFFFFF086  }
0x1c: {  	p1 =	slt.u32 s9, $0xF7A;
	s5 =	simm.s32 @!p2 $0x0  }
0x1d: {  	s5 =	simm.s32 @p1 $0x1;
	p0 =	seq.s32 s7, s2  }
0x1e: {  	s7 =	smul.u32 @!p0 $0xF7A, s2;
	p2 =	seq.s32 @!p0 s5, $0x0  }
0x1f: {  	s9 =	smul.u32 $0xF7A, s1;
	s8 =	simm.s32 @!p0 $0x1BF5;
	p2 =	por !p2, p0  }
0x20: {  	[sflag:s8] =	ssyncset.s32 @!p0 $0xFFFFF086;
	s6 =	sadd.s32 @!p0 s3, s7;
	s7 =	simm.s32 @!p0 $0x108  }
0x21: {  	s3 =	sadd.s32 s3, s9;
	s6 =	sadd.s32 @!p0 $0x88, s6;
	s7 =	simm.s32 @p2 $0x1082  }
0x22: {  	[simem:s7], [sflag:s8] =	dma.local @!p0 [hbm:s6], $0xF7A  }
0x23: {  	s9 =	sor.u32 $0xD0000000, s2;
	s6 =	simm.s32 $0x108;
	_ =	swait.ge @!p0 [sflag:s8], $0x0  }
0x24: {  	s3 =	sadd.s32 $0x88, s3;
	s6 =	simm.s32 @!p1 $0x1082;
	[sflag:s4] =	ssyncset.s32 $0xFFFFF086  }
0x25: {  	[simem:s6], [sflag:s4] =	dma.local [hbm:s3], $0xF7A  }
0x26: {  	[smem:$0x3F9F] =	sst s1;
	(tag) =	ssettag s2;
	_ =	strace s9  }
0x27: {  	s1 =	sld [smem:$0x3FAF]  }
0x28: {  	s2 =	sld [smem:$0x3FB0]  }
0x29: {  	s4 =	sld [smem:$0x3FB2]  }
0x2a: {  	p0 =	seq.s32 s5, $0x0;
	s5 =	sld [smem:$0x3FB3]  }
0x2b: {  	s6 =	sld [smem:$0x3FB4]  }
0x2c: {  	s7 =	sld [smem:$0x3FB5]  }
0x2d: {  	s3 =	simm.s32 $0x108;
	s8 =	sld [smem:$0x3FB6]  }
0x2e: {  	s3 =	simm.s32 @!p0 $0x1082;
	s9 =	sld [smem:$0x3FB7]  }
0x2f: {  	lr =	sadd.s32 s0, s3;
	s0 =	sld [smem:$0x3FAE]  }
0x30: {  	s3 =	sld [smem:$0x3FB1]  }
0x31: {  	[smem:$0x3FBA] =	sst s10  }
0x32: {  	s10 =	sld [smem:$0x3FB8];
	_ =	sdelay $0x3  }
0x33: {  	p0 =	seq.s32 s10, $0x1;
	s10 =	sld [smem:$0x3FBA];
	_ =	sdelay $0x3  }
0x34: {  	[smem:$0x3FBA] =	sst s10  }
0x35: {  	s10 =	sld [smem:$0x3FB9];
	_ =	sdelay $0x3  }
0x36: {  	p1 =	seq.s32 s10, $0x1;
	s10 =	sld [smem:$0x3FBA];
	_ =	sdelay $0x3  }
0x37: {  	[smem:$0x3FBA] =	sst s10  }
0x38: {  	s10 =	sld [smem:$0x3FBB]  }
0x39: {  	_ = 	snop;
	(pc) =	sbr.ind lr, $3  }
0x3a: {  	_ = 	snop  }
0x3b: {  	_ = 	snop  }
0x3c: {  	p2 =	seq.s32 s10, $0x1;
	s10 =	sld [smem:$0x3FBA]  }
0x3d: {  	_ =	shalt  }
0x3e: {  	_ =	shalt  }
0x3f: {  	_ =	shalt  }
0x40: {  	_ =	shalt  }
0x41: {  	_ =	shalt  }
0x42: {  	_ =	shalt  }
0x43: {  	_ =	shalt  }
0x44: {  	_ =	shalt  }
0x45: {  	_ =	shalt  }
0x46: {  	_ =	shalt  }
0x47: {  	_ =	shalt  }
0x48: {  	_ =	shalt  }
0x49: {  	_ =	shalt  }
0x4a: {  	_ =	shalt  }
0x4b: {  	_ =	shalt  }
0x4c: {  	_ =	shalt  }
0x4d: {  	_ =	shalt  }
0x4e: {  	_ =	shalt  }
0x4f: {  	_ =	shalt  }
0x50: {  	_ =	shalt  }
0x51: {  	_ =	shalt  }
0x52: {  	_ =	shalt  }
0x53: {  	_ =	shalt  }
0x54: {  	_ =	shalt  }
0x55: {  	_ =	shalt  }
0x56: {  	_ =	shalt  }
0x57: {  	_ =	shalt  }
0x58: {  	_ =	shalt  }
0x59: {  	_ =	shalt  }
0x5a: {  	_ =	shalt  }
0x5b: {  	_ =	shalt  }
0x5c: {  	_ =	shalt  }
0x5d: {  	_ =	shalt  }
0x5e: {  	_ =	shalt  }
0x5f: {  	_ =	shalt  }
0x60: {  	_ =	shalt  }
0x61: {  	_ =	shalt  }
0x62: {  	_ =	shalt  }
0x63: {  	_ =	shalt  }
0x64: {  	_ =	shalt  }
0x65: {  	_ =	shalt  }
0x66: {  	_ =	shalt  }
0x67: {  	_ =	shalt  }
0x68: {  	_ =	shalt  }
0x69: {  	_ =	shalt  }
0x6a: {  	_ =	shalt  }
0x6b: {  	_ =	shalt  }
0x6c: {  	_ =	shalt  }
0x6d: {  	_ =	shalt  }
0x6e: {  	_ =	shalt  }
0x6f: {  	_ =	shalt  }
0x70: {  	_ =	shalt  }
0x71: {  	_ =	shalt  }
0x72: {  	_ =	shalt  }
0x73: {  	_ =	shalt  }
0x74: {  	_ =	shalt  }
0x75: {  	_ =	shalt  }
0x76: {  	_ =	shalt  }
0x77: {  	_ =	shalt  }
0x78: {  	_ =	shalt  }
0x79: {  	_ =	shalt  }
0x7a: {  	_ =	shalt  }
0x7b: {  	_ =	shalt  }
0x7c: {  	_ =	shalt  }
0x7d: {  	_ =	shalt  }
0x7e: {  	_ =	shalt  }
0x7f: {  	_ =	shalt  }
0x80: {  	_ =	shalt  }
0x81: {  	_ =	shalt  }
0x82: {  	_ =	shalt  }
0x83: {  	_ =	shalt  }
0x84: {  	_ =	shalt  }
0x85: {  	_ =	shalt  }
0x86: {  	_ =	shalt  }
0x87: {  	_ =	shalt  }
.Lfunc_end0:
.L_simem_size_0:
called_computation_lowered:
.L_overlay_start_0:
0x88: {  	s2 =	sld [smem:$0x3FD9]  }
0x89: {  	s3 =	sld [smem:$0x3FFE];
	_ =	sdelay $0x1  }
0x8a: {  	s1 =	srdreg.scid  }
0x8b: {  	s0 =	sand.u32 $0x1, s1  }
0x8c: {  	s18 =	sshll.u32 s0, $0xA;
	s2 =	sadd.s32 s3, s2  }
0x8d: {  	s2 =	sadd.s32 s2, s18  }
0x8e: {  	[smem:$0x3FC6] =	sst s2  }
0x8f: {  	_ = 	snop  }
0x90: {  	s2 =	sld [smem:$0x3FC9]  }
0x91: {  	s19 =	sld [smem:$0x3FC8]  }
0x92: {  	s4 =	sld [smem:$0x3FD0];
	(tm) =	ssettm $0x1  }
0x93: {  	s5 =	sld [smem:$0x3FFB];
	_ =	sdelay $0x3  }
0x94: {  	_ =	strace s5  }
0x95: {  	s5 =	sld [smem:$0x3FFC];
	_ =	sdelay $0x3  }
0x96: {  	_ =	strace s5  }
0x97: {  	s5 =	sld [smem:$0x3FFD];
	_ =	sdelay $0x3  }
0x98: {  	_ =	strace s5  }
0x99: {  	_ =	strace $0x8FFFFFFF  }
0x9a: {  	s20 =	sld [smem:$0x3FDB];
	_ =	sdelay $0x1  }
0x9b: {  	s6 =	simm.s32 $_scs_section_size  }
0x9c: {  	s7 =	simm.s32 $_size__tile_overlayer_lowered;
	s8 =	simm.s32 $_tile_overlayer_lowered  }
0x9d: {  	s23 =	simm.s32 $0x1BFF;
	s22 =	sshll.u32 s8, $0x1;
	s5 =	sadd.s32 s6, s20  }
0x9e: {  	s9 =	simm.s32 $0x0;
	s21 =	sshll.u32 s7, $0x1;
	s7 =	sadd.s32 s22, s5  }
0x9f: {  	[timem:s9], [sflag:s23] =	dma.local [hbm:s7], s21  }
0xa0: {  	_ =	swait.ge [sflag:s23], s21  }
0xa1: {  	s6 =	ssub.s32 $0x0, s21;
	[sflag:s23] =	ssyncset.done $0x0  }
0xa2: {  	[sflag:s23] =	ssyncadd.s32 s6;
	_ =	sdelay $0x1  }
0xa3: {  	s24 =	simm.s32 $0x1B8B  }
0xa4: {  	_ =	swait.ge [sflag:s24], $0x1  }
0xa5: {  	[sflag:s24] =	ssyncset.done $0x0  }
0xa6: {  	s25 =	simm.s32 $0x1B8E;
	[sflag:s24] =	ssyncadd.s32 $0xFFFFFFFF  }
0xa7: {  	s26 =	simm.s32 $execute0_lowered;
	[smem:$0x3FD2] =	sst s25  }
0xa8: {  	s6 =	sshll.u32 s26, $0x1;
	_ =	strace $0x80000046;
	[dreg:$0x1] =	wrdreg $0xFFFFFFFF  }
0xa9: {  	s28 =	simm.s32 $_size_execute0_lowered;
	s5 =	sadd.s32 s5, s6;
	[dreg:$0x0] =	wrdreg $0x0  }
0xaa: {  	s6 =	sshll.u32 s28, $0x1;
	[dreg:$0x2] =	wrdreg s5  }
0xab: {  	[dreg:$0x3] =	wrdreg s6  }
0xac: {  	[dreg:$0x4] =	wrdreg $0xC0  }
0xad: {  	_ =	task [dreg:s9], $0x5FFFF  }
0xae: {  	[dreg:$0x1] =	wrdreg $0xFFFFFFFF  }
0xaf: {  	[dreg:$0x0] =	wrdreg $0x60  }
0xb0: {  	[dreg:$0x2] =	wrdreg s2  }
0xb1: {  	[dreg:$0x3] =	wrdreg s19  }
0xb2: {  	[dreg:$0x4] =	wrdreg s4  }
0xb3: {  	[dreg:$0x5] =	wrdreg $0x9  }
0xb4: {  	_ =	task.clear_ibuf [dreg:s9], $0x6FFFF;
	_ =	strace $0x90000046  }
0xb5: {  	s29 =	simm.s32 $0x9;
	_ =	strace $0x80000048  }
0xb6: {  	_ =	swait.ge [sflag:s29], $0x1  }
0xb7: {  	[sflag:s29] =	ssyncadd.s32 $0xFFFFFFFF  }
0xb8: {  	_ =	strace $0x90000048  }
0xb9: {  	_ =	sfence  }
0xba: {  	s30 =	sld [smem:$0x0];
	_ =	sdelay $0x2  }
0xbb: {  	s31 =	sshll.u32 s1, $0xD;
	s1 =	sshrl.u32 s1, $0x2  }
0xbc: {  	s3 =	sand.u32 $0x4000, s31;
	s1 =	sadd.s32 s1, s30  }
0xbd: {  	s0 =	sor.u32 s3, s0;
	s1 =	sshll.u32 s1, $0x11  }
0xbe: {  	s0 =	sor.u32 s1, s0  }
0xbf: {  	s0 =	sadd.s32 $0x8F2B, s0  }
0xc0: {  	[sflag:s0] =	ssyncadd.remote.s32 $0x1  }
0xc1: {  	_ =	sfence.sel $0xFFFF  }
0xc2: {  	[dreg:$0x0] =	wrdreg $0xFFFFFFFF;
	(pc) =	sbr.abs _section_cstart, $3  }
0xc3: {  	[dreg:$0x1] =	wrdreg $0xFFFFFFFF  }
0xc4: {  	_ =	task.clear_ibuf [dreg:s9], $0x2FFFF;
	_ =	strace $0x9FFFFFFF  }
0xc5: {  	(tm) =	ssettm $0x7FFFFFFF  }
tec
execute0_lowered:
.L_overlay_start_1:
0x0: {  	(tag) =	ssettag $0x1  }
0x1: {  	s0 =	rddreg [dreg:$0x0]  }
0x2: {  	s2 =	rddreg [dreg:$0x1]  }
0x3: {  	s1 =	rddreg [dreg:$0x2]  }
0x4: {  	s3 =	srdreg.scid;
	s5 =	stileid.u32;
	s13 =	simm.s32 $0x80  }
0x5: {  	s14 =	simm.s32 $0x1C00;
	s19 =	simm.s32 $0xDC00;
	s20 =	simm.s32 $0x1  }
0x6: {  	s21 =	simm.s32 $0x11C00;
	s22 =	simm.s32 $0x2;
	s23 =	simm.s32 $0x15C00  }
0x7: {  	s24 =	simm.s32 $0x3;
	s28 =	simm.s32 $0x4;
	s29 =	simm.s32 $0x8  }
0x8: {  	s30 =	simm.s32 $0x5;
	s31 =	simm.s32 $0x9;
	s9 =	simm.s32 $0x7  }
0x9: {  	s10 =	simm.s32 $0xB;
	s4 =	sand.u32 $0x1, s3;
	s3 =	simm.s32 $0x0  }
0xa: {  	s5 =	sshll.u32 s5, $0x8;
	s18 =	sadd.s32 $0x310000, s1;
	s25 =	sadd.s32 $0x30000, s1  }
0xb: {  	s1 =	simm.s32 $0xA;
	s6 =	sshll.u32 s4, $0x7;
	[smem:$0x7FF] =	sst s3  }
0xc: {  	s4 =	ssub.s32 $0x2, s4;
	s5 =	sor.u32 s6, s5;
	_ =	strace $0x80000047  }
0xd: {  	s15 =	sshrl.u32 s4, $0x1;
	[dreg:$0x7] =	wrdreg s25;
	s7 =	sadd.s32 s0, s5  }
.Ltmp0:
0xe: {  	s16 =	ssub.s32 s4, s15;
	s6 =	sshll.u32 s5, $0x4;
	(pc) =	sbr.rel .LBB2_1-.Ltmp0, $4  }
0xf: {  	s15 =	simm.s32 $0x5C00;
	[dreg:$0x4] =	wrdreg s7;
	s17 =	sadd.s32 $0x6000, s7  }
0x10: {  	s5 =	simm.s32 $0x0;
	s0 =	smax.u32 s16, $0x1;
	[dreg:$0x5] =	wrdreg s17  }
0x11: {  	s26 =	sadd.s32 s6, s18;
	[dreg:$0x6] =	wrdreg s0;
	s17 =	simm.s32 $0x9C00  }
0x12: {  	[dreg:$0x8] =	wrdreg s26;
	s26 =	simm.s32 $0x19C00;
	s0 =	simm.s32 $0x6  }
.LBB2_4:
0x13: {  	_ =	swait.ge [sflag:s20], $0x4000  }
0x14: {  	[sflag:s20] =	ssyncset.done $0x0  }
0x15: {  	s12 =	simm.s32 $0xC;
	s4 =	rddreg [dreg:$0x8];
	[sflag:s20] =	ssyncadd.s32 $0xFFFFC000  }
0x16: {  	[hbm4b:s4+s3] =	stream.linear.scatter [tilespmem:s14], [sflag:$0x8], $0x4000, $0x38;
	[tilespmem:$0x1DC00] =	vst v63  }
0x17: {  	_ =	swait.ge [sflag:s12], $0x4000  }
0x18: {  	[sflag:s12] =	ssyncset.done $0x0  }
0x19: {  	s16 =	simm.s32 $0xD;
	[sflag:s12] =	ssyncadd.s32 $0xFFFFC000  }
0x1a: {  	_ =	swait.ge [sflag:s16], $0x4000  }
0x1b: {  	[sflag:s16] =	ssyncset.done $0x0  }
0x1c: {  	s18 =	simm.s32 $0xE;
	[sflag:s16] =	ssyncadd.s32 $0xFFFFC000  }
0x1d: {  	_ =	swait.ge [sflag:s18], $0x4000  }
0x1e: {  	[sflag:s18] =	ssyncset.done $0x0  }
0x1f: {  	[sflag:s18] =	ssyncadd.s32 $0xFFFFC000  }
0x20: {  	_ =	swait.ge [sflag:s29], $0x4000  }
0x21: {  	s5 =	sadd.s32 $0x1, s5;
	s25 =	rddreg [dreg:$0x6]  }
0x22: {  	p0 =	sne.s32 s5, s25  }
.Ltmp1:
0x23: {  	_ = 	snop;
	(pc) =	sbr.rel @!p0 .LBB2_5-.Ltmp1, $3  }
0x24: {  	_ =	sdelay $0x1  }
0x25: {  	[sflag:s29] =	ssyncset.done $0x0  }
0x26: {  	[sflag:s29] =	ssyncadd.s32 $0xFFFFC000  }
.LBB2_1:
0x27: {  	s4 =	rddreg [dreg:$0x4];
	s7 =	simm.s32 $0x400;
	s8 =	simm.s32 $0x8000  }
0x28: {  	[tilespmem:s3], [sflag:$0xF] =	stream.strided.gather [hbm4b:s4+s7], $0x1800, s8, s7, $0x38;
	[tilespmem:$0x1DC00] =	vst v63  }
0x29: {  	s11 =	rddreg [dreg:$0x5];
	s12 =	simm.s32 $0x1800;
	s16 =	simm.s32 $0xF  }
0x2a: {  	[tilespmem:s12], [sflag:$0xF] =	stream.linear.gather [hbm4b:s11+s3], $0x100, $0x38;
	[tilespmem:$0x1DC00] =	vst v63  }
0x2b: {  	_ =	swait.ge [sflag:s16], $0x1900  }
0x2c: {  	[sflag:s16] =	ssyncset.done $0x0  }
0x2d: {  	[sflag:s16] =	ssyncadd.s32 $0xFFFFE700  }
0x2e: {  	[tilespmem:s14], [sflag:$0x1] =	stream.indirect.gather [hbm4b:s2+s13], $0x80, s3, s13, $0xb8;
	[tilespmem:$0x1DC00] =	vst v63  }
0x2f: {  	_ = 	snop  }
0x30: {  	[tilespmem:s15], [sflag:$0x2] =	stream.indirect.gather [hbm4b:s2+s13], $0x80, s13, s13, $0xb8;
	[tilespmem:$0x1DC00] =	vst v63  }
0x31: {  	s18 =	simm.s32 $0x100  }
0x32: {  	[tilespmem:s17], [sflag:$0x3] =	stream.indirect.gather [hbm4b:s2+s13], $0x80, s18, s13, $0xb8;
	[tilespmem:$0x1DC00] =	vst v63  }
0x33: {  	s25 =	simm.s32 $0x180;
	s4 =	simm.s32 $0x0;
	s8 =	rddreg [dreg:$0x7]  }
0x34: {  	[tilespmem:s19], [sflag:$0x4] =	stream.indirect.gather [hbm4b:s2+s13], $0x80, s25, s13, $0xb8;
	[tilespmem:$0x1DC00] =	vst v63  }
.LBB2_2:
0x35: {  	_ =	swait.ge [sflag:s20], $0x4000  }
0x36: {  	s7 =	sadd.s32 s6, s8;
	p0 =	seq.s32 s4, $0x0;
	[sflag:s20] =	ssyncset.done $0x0  }
0x37: {  	s25 =	sadd.s32 $0xFFFD0000, s7;
	s12 =	simm.s32 @!p0 $0xC;
	[sflag:s20] =	ssyncadd.s32 $0xFFFFC000  }
0x38: {  	[hbm4b:s25+s3] =	stream.linear.scatter [tilespmem:s14], [sflag:$0x8], $0x4000, $0x38;
	[tilespmem:$0x1DC00] =	vst v63  }
0x39: {  	_ =	swait.ge @!p0 [sflag:s12], $0x4000  }
0x3a: {  	s25 =	sshra.s32 s4, $0x2;
	[sflag:s12] =	ssyncset.done @!p0 $0x0  }
0x3b: {  	s16 =	sadd.s32 $0x200, s25;
	[sflag:s12] =	ssyncadd.s32 @!p0 $0xFFFFC000  }
0x3c: {  	[tilespmem:s21], [sflag:$0x5] =	stream.indirect.gather [hbm4b:s2+s13], $0x80, s16, s13, $0xb8;
	[tilespmem:$0x1DC00] =	vst v63  }
0x3d: {  	_ =	swait.ge [sflag:s22], $0x4000  }
0x3e: {  	[sflag:s22] =	ssyncset.done $0x0  }
0x3f: {  	s18 =	sadd.s32 $0xFFFE0000, s7;
	s12 =	simm.s32 @!p0 $0xD;
	[sflag:s22] =	ssyncadd.s32 $0xFFFFC000  }
0x40: {  	[hbm4b:s18+s3] =	stream.linear.scatter [tilespmem:s15], [sflag:$0x9], $0x4000, $0x38;
	[tilespmem:$0x1DC00] =	vst v63  }
0x41: {  	_ =	swait.ge @!p0 [sflag:s12], $0x4000  }
0x42: {  	[sflag:s12] =	ssyncset.done @!p0 $0x0  }
0x43: {  	s11 =	sadd.s32 $0x280, s25;
	[sflag:s12] =	ssyncadd.s32 @!p0 $0xFFFFC000  }
0x44: {  	[tilespmem:s23], [sflag:$0x6] =	stream.indirect.gather [hbm4b:s2+s13], $0x80, s11, s13, $0xb8;
	[tilespmem:$0x1DC00] =	vst v63  }
0x45: {  	_ =	swait.ge [sflag:s24], $0x4000  }
0x46: {  	[sflag:s24] =	ssyncset.done $0x0  }
0x47: {  	s16 =	sadd.s32 $0xFFFF0000, s7;
	s12 =	simm.s32 @!p0 $0xE;
	[sflag:s24] =	ssyncadd.s32 $0xFFFFC000  }
0x48: {  	[hbm4b:s16+s3] =	stream.linear.scatter [tilespmem:s17], [sflag:$0xA], $0x4000, $0x38;
	[tilespmem:$0x1DC00] =	vst v63  }
0x49: {  	_ =	swait.ge @!p0 [sflag:s12], $0x4000  }
0x4a: {  	[sflag:s12] =	ssyncset.done @!p0 $0x0  }
0x4b: {  	s18 =	sadd.s32 $0x300, s25;
	[sflag:s12] =	ssyncadd.s32 @!p0 $0xFFFFC000  }
0x4c: {  	[tilespmem:s26], [sflag:$0x7] =	stream.indirect.gather [hbm4b:s2+s13], $0x80, s18, s13, $0xb8;
	[tilespmem:$0x1DC00] =	vst v63  }
0x4d: {  	_ =	swait.ge [sflag:s28], $0x4000  }
0x4e: {  	[sflag:s28] =	ssyncset.done $0x0  }
0x4f: {  	[sflag:s28] =	ssyncadd.s32 $0xFFFFC000  }
0x50: {  	[hbm4b:s7+s3] =	stream.linear.scatter [tilespmem:s19], [sflag:$0xB], $0x4000, $0x38;
	[tilespmem:$0x1DC00] =	vst v63  }
0x51: {  	_ =	swait.ge [sflag:s29], $0x4000  }
0x52: {  	[sflag:s29] =	ssyncset.done $0x0  }
0x53: {  	s11 =	sadd.s32 $0x380, s25;
	[sflag:s29] =	ssyncadd.s32 $0xFFFFC000  }
0x54: {  	[tilespmem:s14], [sflag:$0x1] =	stream.indirect.gather [hbm4b:s2+s13], $0x80, s11, s13, $0xb8;
	[tilespmem:$0x1DC00] =	vst v63  }
0x55: {  	_ =	swait.ge [sflag:s30], $0x4000  }
0x56: {  	[sflag:s30] =	ssyncset.done $0x0  }
0x57: {  	s16 =	sadd.s32 $0x10000, s7;
	[sflag:s30] =	ssyncadd.s32 $0xFFFFC000  }
0x58: {  	[hbm4b:s16+s3] =	stream.linear.scatter [tilespmem:s21], [sflag:$0xC], $0x4000, $0x38;
	[tilespmem:$0x1DC00] =	vst v63  }
0x59: {  	p0 =	seq.s32 s4, $0x5400;
	_ =	swait.ge [sflag:s31], $0x4000  }
0x5a: {  	s12 =	sshra.s32 @!p0 s4, $0x2;
	s18 =	simm.s32 @!p0 $0x5C00;
	[sflag:s31] =	ssyncset.done $0x0  }
0x5b: {  	s11 =	sadd.s32 @!p0 $0x400, s12;
	s16 =	simm.s32 @!p0 $0x80;
	[sflag:s31] =	ssyncadd.s32 $0xFFFFC000  }
0x5c: {  	[tilespmem:s18], [sflag:$0x2] =	stream.indirect.gather @!p0 [hbm4b:s2+s16], $0x80, s11, s16, $0xb8;
	[tilespmem:$0x1DC00] =	vst v63  }
0x5d: {  	_ =	swait.ge [sflag:s0], $0x4000  }
0x5e: {  	[sflag:s0] =	ssyncset.done $0x0  }
0x5f: {  	s18 =	sadd.s32 $0x20000, s7;
	[sflag:s0] =	ssyncadd.s32 $0xFFFFC000  }
0x60: {  	[hbm4b:s18+s3] =	stream.linear.scatter [tilespmem:s23], [sflag:$0xD], $0x4000, $0x38;
	[tilespmem:$0x1DC00] =	vst v63  }
0x61: {  	_ =	swait.ge [sflag:s1], $0x4000  }
0x62: {  	[sflag:s1] =	ssyncset.done $0x0  }
0x63: {  	s11 =	sadd.s32 @!p0 $0x480, s12;
	s12 =	simm.s32 @!p0 $0x9C00;
	[sflag:s1] =	ssyncadd.s32 $0xFFFFC000  }
0x64: {  	[tilespmem:s12], [sflag:$0x3] =	stream.indirect.gather @!p0 [hbm4b:s2+s16], $0x80, s11, s16, $0xb8;
	[tilespmem:$0x1DC00] =	vst v63  }
0x65: {  	_ =	swait.ge [sflag:s9], $0x4000  }
0x66: {  	[sflag:s9] =	ssyncset.done $0x0  }
.Ltmp2:
0x67: {  	s7 =	sadd.s32 $0x30000, s7;
	[sflag:s9] =	ssyncadd.s32 $0xFFFFC000;
	(pc) =	sbr.rel @p0 .LBB2_4-.Ltmp2, $4  }
0x68: {  	[hbm4b:s7+s3] =	stream.linear.scatter [tilespmem:s26], [sflag:$0xE], $0x4000, $0x38;
	[tilespmem:$0x1DC00] =	vst v63  }
0x69: {  	_ =	swait.ge [sflag:s10], $0x4000  }
0x6a: {  	[sflag:s10] =	ssyncset.done $0x0  }
0x6b: {  	[sflag:s10] =	ssyncadd.s32 $0xFFFFC000  }
.Ltmp3:
0x6c: {  	(pc) =	sbr.rel .LBB2_2-.Ltmp3, $3  }
0x6d: {  	_ =	sdelay $0x1  }
0x6e: {  	s7 =	sadd.s32 $0x500, s25;
	s4 =	sadd.s32 $0xE00, s4;
	s8 =	sadd.s32 $0x70000, s8  }
0x6f: {  	[tilespmem:s19], [sflag:$0x4] =	stream.indirect.gather [hbm4b:s2+s13], $0x80, s7, s13, $0xb8;
	[tilespmem:$0x1DC00] =	vst v63  }
.LBB2_5:
0x70: {  	_ =	sfence.sel $0x180000  }
0x71: {  	[bflag:$0x0] =	sbarrier.arrive $0xFFFF  }
0x72: {  	_ =	strace $0x90000047  }
0x73: {  	s0 =	stileid.u32;
	[bflag:$0x2] =	sbarrier.arrive $0xFFFF  }
0x74: {  	p0 =	sne.s32 s0, $0x0;
	s0 =	rddreg [dreg:$0x3]  }
0x75: {  	s0 =	sadd.s32 @!p0 $0x100000, s0  }
0x76: {  	[sflag:s0] =	ssyncadd.tile.s32 @!p0 $0x1;
	_ =	shalt  }
.Lfunc_end2:
_tile_overlayer_lowered:
.L_overlay_start_2:
0x77: {  	(tag) =	ssettag $0x2  }
0x78: {  	s0 =	rddreg [dreg:$0x0];
	s2 =	stileid.u32  }
0x79: {  	s1 =	rddreg [dreg:$0x1];
	p0 =	sne.s32 s2, $0x0  }
0x7a: {  	s3 =	rddreg [dreg:$0x2];
	[bflag:$0x3] =	sbarrier.arrive $0xFFFF;
	s2 =	simm.s32 @!p0 $0x1C0F  }
0x7b: {  	[timem:s3], [sflag:s2] =	dma.local @!p0 [hbm:s0], s1  }
0x7c: {  	s0 =	simm.s32 @!p0 $0xF  }
0x7d: {  	_ =	swait.ge @!p0 [sflag:s0], s1  }
0x7e: {  	s1 =	ssub.s32 @!p0 $0x0, s1;
	[sflag:s0] =	ssyncset.done @!p0 $0x0  }
0x7f: {  	[sflag:s0] =	ssyncadd.s32 @!p0 s1  }
0x80: {  	[bflag:$0x3] =	sbarrier.arrive $0xFFFF  }
0x81: {  	_ =	shalt  }

</sc_bundles>
